<compile_context>
chip_gen: v7x
topology: tpu7x:2x2x1
jax: 0.10.2.dev20260603
libtpu: 0.0.44.dev20260713+nightly
codegen_flags: <defaults>
</compile_context>

<pallas_src>
import functools

import jax
import jax.numpy as jnp
from jax import lax
from jax.experimental import pallas as pl
from jax.experimental.pallas import tpu as pltpu
from jax.experimental.pallas import tpu_sc as plsc

_NC = 2
_NS = 16
_NW = _NC * _NS
_L = 16

_K = 16
_FOLD = 16


def _merge22(lo_a, hi_a, lo_b, hi_b):
    s1 = jnp.minimum(lo_a, lo_b)
    s4 = jnp.maximum(hi_a, hi_b)
    t1 = jnp.maximum(lo_a, lo_b)
    t2 = jnp.minimum(hi_a, hi_b)
    return s1, jnp.minimum(t1, t2), jnp.maximum(t1, t2), s4


def _low4_of_sorted44(a, b):
    l1 = jnp.minimum(a[0], b[3])
    l2 = jnp.minimum(a[1], b[2])
    l3 = jnp.minimum(a[2], b[1])
    l4 = jnp.minimum(a[3], b[0])
    m1, m3 = jnp.minimum(l1, l3), jnp.maximum(l1, l3)
    m2, m4 = jnp.minimum(l2, l4), jnp.maximum(l2, l4)
    return (
        jnp.minimum(m1, m2),
        jnp.maximum(m1, m2),
        jnp.minimum(m3, m4),
        jnp.maximum(m3, m4),
    )


def _topk_body(rows, n, k, p_rows_ref, p_all_ref, out_ref,
               hcol_ref, f1_ref, f2_ref, f3_ref, f4_ref):
    i = pl.program_id(0)
    blocks_per_graph = n // rows
    rb = i % blocks_per_graph
    s_width = n // _FOLD

    @pl.when(rb == 0)
    def _():
        pa = p_all_ref[...]
        hcol_ref[...] = 0.5 * jnp.sum(pa * pa, axis=1)[None, :]

    p_rows = p_rows_ref[...]
    hrow = 0.5 * jnp.sum(p_rows * p_rows, axis=1, keepdims=True)
    dots = jax.lax.dot_general(
        p_rows, p_all_ref[...], (((1,), (1,)), ((), ())),
        preferred_element_type=jnp.float32,
    )
    d2 = (hrow + hcol_ref[...]) - dots

    bits = jax.lax.bitcast_convert_type(d2, jnp.int32)
    pk = []
    for c in range(_FOLD):
        chunk = bits[:, c * s_width:(c + 1) * s_width]
        chunk = jax.lax.bitwise_or(
            jax.lax.bitwise_and(chunk, jnp.int32(~(_FOLD - 1))), jnp.int32(c)
        )
        pk.append(jax.lax.bitcast_convert_type(chunk, jnp.float32))

    lo = [jnp.minimum(pk[2 * t], pk[2 * t + 1]) for t in range(_FOLD // 2)]
    hi = [jnp.maximum(pk[2 * t], pk[2 * t + 1]) for t in range(_FOLD // 2)]
    s4 = [
        _merge22(lo[2 * t], hi[2 * t], lo[2 * t + 1], hi[2 * t + 1])
        for t in range(_FOLD // 4)
    ]
    while len(s4) > 1:
        s4 = [
            _low4_of_sorted44(s4[2 * t], s4[2 * t + 1])
            for t in range(len(s4) // 2)
        ]
    f1, f2, f3, f4 = s4[0]
    f1_ref[...] = f1
    f2_ref[...] = f2
    f3_ref[...] = f3
    f4_ref[...] = f4

    slotf = jax.lax.broadcasted_iota(
        jnp.int32, (rows, s_width), 1).astype(jnp.float32)
    inf = jnp.float32(jnp.inf)
    for j in range(k + 1):
        f1 = f1_ref[...]
        m = jnp.min(f1, axis=1, keepdims=True)
        sf = jnp.min(jnp.where(f1 == m, slotf, inf), axis=1, keepdims=True)
        if j >= 1:
            c = jax.lax.bitwise_and(
                jax.lax.bitcast_convert_type(m, jnp.int32),
                jnp.int32(_FOLD - 1),
            )
            out_ref[:, j - 1:j] = c * s_width + sf.astype(jnp.int32)
        if j < k:
            pred = slotf == sf
            f2v = f2_ref[...]
            f3v = f3_ref[...]
            f4v = f4_ref[...]
            f1_ref[...] = jnp.where(pred, f2v, f1)
            f2_ref[...] = jnp.where(pred, f3v, f2v)
            f3_ref[...] = jnp.where(pred, f4v, f3v)
            f4_ref[...] = jnp.where(pred, inf, f4v)


def _neighbors(positions, num_graphs, n, k):
    total = positions.shape[0]
    rows = min(512, n)
    blocks_per_graph = n // rows
    s_width = n // _FOLD
    grid = (num_graphs * blocks_per_graph,)
    body = functools.partial(_topk_body, rows, n, k)
    return pl.pallas_call(
        body,
        grid=grid,
        in_specs=[
            pl.BlockSpec((rows, positions.shape[1]), lambda i: (i, 0)),
            pl.BlockSpec(
                (n, positions.shape[1]),
                lambda i, _bpg=blocks_per_graph: (i // _bpg, 0),
            ),
        ],
        out_specs=pl.BlockSpec((rows, k), lambda i: (i, 0)),
        out_shape=jax.ShapeDtypeStruct((total, k), jnp.int32),
        scratch_shapes=[pltpu.VMEM((1, n), jnp.float32)]
        + [pltpu.VMEM((rows, s_width), jnp.float32)] * 4,
    )(positions, positions)


def _assemble_body(n, k, rpt, idx_hbm, off_hbm, out_hbm, idx_v, off_v, out_v):
    chunk = idx_v.shape[0]
    w = lax.axis_index("s") * _NC + lax.axis_index("c")
    base = w * rpt
    pltpu.sync_copy(off_hbm.at[pl.ds(base, _L)], off_v)
    off_vec = off_v[...]
    local_base = base - (base // n) * n
    lane = lax.iota(jnp.int32, _L)
    half = lax.shift_right_logical(lane, 1)
    even = (lane & 1) == 0

    for cc in range(rpt // chunk):
        cbase = base + cc * chunk
        pltpu.sync_copy(idx_hbm.at[pl.ds(cbase, chunk), :], idx_v)

        def row(t, carry):
            from_v = jnp.broadcast_to(local_base + cc * chunk + t, (_L,)) + off_vec
            to_v = idx_v[t] + off_vec
            fbase = 2 * k * t
            out_v[pl.ds(fbase, _L)] = jnp.where(
                even, from_v, jnp.take(to_v, half))
            out_v[pl.ds(fbase + _L, _L)] = jnp.where(
                even, from_v, jnp.take(to_v, half + (_L // 2)))
            return carry

        lax.fori_loop(0, 1, row, 0)
        pltpu.sync_copy(out_v, out_hbm.at[pl.ds(2 * k * cbase, 2 * k * chunk)])


def _assemble(idx_local, row_off, n, k):
    total = idx_local.shape[0]
    rpt = total // _NW
    body = functools.partial(_assemble_body, n, k, rpt)
    mesh = plsc.VectorSubcoreMesh(
        core_axis_name="c", subcore_axis_name="s",
        num_cores=_NC, num_subcores=_NS,
    )
    return pl.kernel(
        body,
        out_type=pltpu.HBM((total * 2 * k,), jnp.int32),
        mesh=mesh,
        scratch_types=[
            pltpu.VMEM((min(256, rpt), k), jnp.int32),
            pltpu.VMEM((_L,), jnp.int32),
            pltpu.VMEM((min(256, rpt) * 2 * k,), jnp.int32),
        ],
    )(idx_local, row_off)


def kernel(num_nodes, positions):
    num_graphs = num_nodes.shape[0]
    total = positions.shape[0]
    n = total // num_graphs
    k = min(_K, n - 1)

    idx_local = _neighbors(positions, num_graphs, n, k)

    offsets = jnp.concatenate(
        (jnp.zeros((1,), dtype=num_nodes.dtype), jnp.cumsum(num_nodes)[:-1])
    ).astype(jnp.int32)
    row_off = jnp.repeat(offsets, n)
    pairs = _assemble(idx_local, row_off, n, k)
    edge_index = pairs.reshape(total * k, 2)
    num_edges = jnp.full((num_graphs,), n * k, dtype=jnp.int32)
    return edge_index, num_edges

# --- scband reference (transcript-rebuilt; emitter-appended) ---
"""Pipeline reference for scband-connected-with-knn-72224170049742 (READ-ONLY COPY).

The authoritative reference and input builder live on the scoring server;
editing this copy changes nothing except your own understanding.
"""

import jax, jax.numpy as jnp
import numpy as np

K = 16
START_IDX = 1  # keep_loops=False -> skip the self-loop (nearest == self) column


def _cdist(p):
    sq = jnp.sum(p * p, axis=-1)
    d2 = sq[:, None] + sq[None, :] - 2.0 * (p @ p.T)
    return jnp.sqrt(jnp.maximum(d2, 1e-12))


def setup_inputs(seed: int = 0) -> dict:
    key = jax.random.key(seed)
    # 8 graphs of 4096 nodes each (sum(num_nodes) == positions.shape[0] == 32768)
    num_nodes = jnp.full((8,), 4096, dtype=jnp.int32)
    positions = jax.random.normal(jax.random.fold_in(key, 1), (32768, 64), dtype=jnp.float32)
    return {"num_nodes": num_nodes, "positions": positions}


def reference(num_nodes, positions):
    num_graphs = num_nodes.shape[0]
    n = positions.shape[0] // num_graphs
    offsets = jnp.concatenate(
        (jnp.zeros((1,), dtype=num_nodes.dtype), jnp.cumsum(num_nodes)[:-1])
    )
    edge_chunks = []
    num_edges = []
    k_ = min(K, n - 1)
    for i in range(num_graphs):
        start = i * n
        p = positions[start:start + n]
        d = _cdist(p)
        order = jnp.argsort(d, axis=-1)  # torch.sort returns indices; argsort is equivalent
        idx_to = order[:, START_IDX:k_ + 1]
        idx_from = jnp.repeat(jnp.arange(n, dtype=idx_to.dtype)[:, None], idx_to.shape[1], axis=1)
        ei = jnp.stack((idx_from, idx_to), axis=-1).reshape(-1, 2) + offsets[i]
        edge_chunks.append(ei)
        num_edges.append(ei.shape[0])
    edge_index = jnp.concatenate(edge_chunks, axis=0)
    return edge_index, jnp.asarray(num_edges, dtype=jnp.int32)

if __name__ == "__main__":
    import jax
    _d = setup_inputs()
    print(jax.jit(kernel)(*tuple(_d.values())))

</pallas_src>

<mosaic_0001>
#map = affine_map<(d0, d1) -> (0, 0)>
#map1 = affine_map<(d0, d1) -> (0)>
module attributes {stable_mosaic.version = 14 : i64} {
  func.func @_assemble_body(%arg0: i32, %arg1: i32, %arg2: memref<32768x16xi32, #tpu.memory_space<hbm>>, %arg3: memref<32768xi32, #tpu.memory_space<hbm>>, %arg4: memref<1048576xi32, #tpu.memory_space<hbm>>, %arg5: memref<256x16xi32, #tpu.memory_space<vmem>>, %arg6: memref<16xi32, #tpu.memory_space<vmem>>, %arg7: memref<8192xi32, #tpu.memory_space<vmem>>) attributes {dimension_semantics = [#tpu.dimension_semantics<core_parallel>, #tpu.dimension_semantics<subcore_parallel>], iteration_bounds = array<i64: 2, 16>, scalar_prefetch = 0 : i64, scratch_operands = 3 : i64, tpu.core_type = #tpu.core_type<sc_vector_subcore>, window_params = [{transform_indices = #map}, {transform_indices = #map1}, {transform_indices = #map1}]} {
    %mul3A = arith.constant 2 : i32
    %mul3A_0 = arith.muli %arg1, %mul3A : i32
    %add3A = arith.addi %mul3A_0, %arg0 : i32
    %mul3A_1 = arith.constant 1024 : i32
    %mul3A_2 = arith.muli %add3A, %mul3A_1 : i32
    "tpu.region"() ({
      %run_scoped3A = tpu.sem_alloc : memref<!tpu.dma_semaphore, #tpu.memory_space<semaphore_mem>>
      %dma_start3A = tpu.memref_slice %arg3[%mul3A_2] : memref<32768xi32, #tpu.memory_space<hbm>> -> memref<16xi32, #tpu.memory_space<hbm>>
      %dma_start3A_242 = tpu.memref_slice %arg3[%mul3A_2] : memref<32768xi32, #tpu.memory_space<hbm>> -> memref<16xi32, #tpu.memory_space<hbm>>
      tpu.enqueue_dma source(%dma_start3A_242 : memref<16xi32, #tpu.memory_space<hbm>>) target(%arg6 : memref<16xi32, #tpu.memory_space<vmem>>) target_semaphore(%run_scoped3A : memref<!tpu.dma_semaphore, #tpu.memory_space<semaphore_mem>>)
      %dma_wait3A = tpu.memref_slice %arg3[%mul3A_2] : memref<32768xi32, #tpu.memory_space<hbm>> -> memref<16xi32, #tpu.memory_space<hbm>>
      %dma_wait3A_243 = tpu.memref_slice %arg3[%mul3A_2] : memref<32768xi32, #tpu.memory_space<hbm>> -> memref<16xi32, #tpu.memory_space<hbm>>
      tpu.wait_dma2 semaphore(%run_scoped3A : memref<!tpu.dma_semaphore, #tpu.memory_space<semaphore_mem>>) src(%dma_wait3A_243 : memref<16xi32, #tpu.memory_space<hbm>>) dst(%arg6 : memref<16xi32, #tpu.memory_space<vmem>>)
      tpu.yield
    }) : () -> ()
    %get3A = arith.constant 0 : index
    %get3A_3 = tpu.vector_load %arg6[%get3A] {strides = array<i32>} : memref<16xi32, #tpu.memory_space<vmem>>, vector<16xi32>,
    %get3A_4 = vector.shape_cast %get3A_3 : vector<16xi32> to vector<16xi32>
    %jit3A = arith.constant 4096 : i32
    %div3A = arith.divsi %mul3A_2, %jit3A : i32
    %sign3A = arith.constant 0 : i32
    %sign3A_5 = arith.cmpi sgt, %mul3A_2, %sign3A : i32
    %sign3A_6 = arith.extui %sign3A_5 : i1 to i32
    %sign3A_7 = arith.constant 0 : i32
    %sign3A_8 = arith.cmpi slt, %mul3A_2, %sign3A_7 : i32
    %sign3A_9 = arith.extui %sign3A_8 : i1 to i32
    %sign3A_10 = arith.subi %sign3A_6, %sign3A_9 : i32
    %sign3A_11 = arith.constant 0 : i32
    %sign3A_12 = arith.cmpi sgt, %jit3A, %sign3A_11 : i32
    %sign3A_13 = arith.extui %sign3A_12 : i1 to i32
    %sign3A_14 = arith.constant 0 : i32
    %sign3A_15 = arith.cmpi slt, %jit3A, %sign3A_14 : i32
    %sign3A_16 = arith.extui %sign3A_15 : i1 to i32
    %sign3A_17 = arith.subi %sign3A_13, %sign3A_16 : i32
    %ne3A = arith.cmpi ne, %sign3A_10, %sign3A_17 : i32
    %rem3A = arith.remsi %mul3A_2, %jit3A : i32
    %ne3A_18 = arith.constant 0 : i32
    %ne3A_19 = arith.cmpi ne, %rem3A, %ne3A_18 : i32
    %and3A = arith.andi %ne3A, %ne3A_19 : i1
    %sub3A = arith.constant 1 : i32
    %sub3A_20 = arith.subi %div3A, %sub3A : i32
    %select_n3A = arith.select %and3A, %sub3A_20, %div3A : i32
    %mul3A_21 = arith.constant 4096 : i32
    %mul3A_22 = arith.muli %select_n3A, %mul3A_21 : i32
    %sub3A_23 = arith.subi %mul3A_2, %mul3A_22 : i32
    %iota3A = tpu.iota {dimensions = array<i32: 0>} : vector<16xi32>
    %shift_right_logical3A = arith.constant 1 : i32
    %shift_right_logical3A_24 = vector.broadcast %shift_right_logical3A : i32 to vector<16xi32>
    %shift_right_logical3A_25 = arith.shrui %iota3A, %shift_right_logical3A_24 : vector<16xi32>
    %and3A_26 = arith.constant 1 : i32
    %and3A_27 = vector.broadcast %and3A_26 : i32 to vector<16xi32>
    %and3A_28 = arith.andi %iota3A, %and3A_27 : vector<16xi32>
    %eq3A = arith.constant 0 : i32
    %eq3A_29 = vector.broadcast %eq3A : i32 to vector<16xi32>
    %eq3A_30 = arith.cmpi eq, %and3A_28, %eq3A_29 : vector<16xi32>
    %add3A_31 = arith.constant 0 : i32
    %add3A_32 = arith.addi %mul3A_2, %add3A_31 : i32
    "tpu.region"() ({
      %run_scoped3A = tpu.sem_alloc : memref<!tpu.dma_semaphore, #tpu.memory_space<semaphore_mem>>
      %dma_start3A = arith.constant 0 : i32
      %dma_start3A_242 = tpu.memref_slice %arg2[%add3A_32, %dma_start3A] : memref<32768x16xi32, #tpu.memory_space<hbm>> -> memref<256x16xi32, #tpu.memory_space<hbm>>
      %dma_start3A_243 = arith.constant 0 : i32
      %dma_start3A_244 = tpu.memref_slice %arg2[%add3A_32, %dma_start3A_243] : memref<32768x16xi32, #tpu.memory_space<hbm>> -> memref<256x16xi32, #tpu.memory_space<hbm>>
      tpu.enqueue_dma source(%dma_start3A_244 : memref<256x16xi32, #tpu.memory_space<hbm>>) target(%arg5 : memref<256x16xi32, #tpu.memory_space<vmem>>) target_semaphore(%run_scoped3A : memref<!tpu.dma_semaphore, #tpu.memory_space<semaphore_mem>>)
      %dma_wait3A = arith.constant 0 : i32
      %dma_wait3A_245 = tpu.memref_slice %arg2[%add3A_32, %dma_wait3A] : memref<32768x16xi32, #tpu.memory_space<hbm>> -> memref<256x16xi32, #tpu.memory_space<hbm>>
      %dma_wait3A_246 = arith.constant 0 : i32
      %dma_wait3A_247 = tpu.memref_slice %arg2[%add3A_32, %dma_wait3A_246] : memref<32768x16xi32, #tpu.memory_space<hbm>> -> memref<256x16xi32, #tpu.memory_space<hbm>>
      tpu.wait_dma2 semaphore(%run_scoped3A : memref<!tpu.dma_semaphore, #tpu.memory_space<semaphore_mem>>) src(%dma_wait3A_247 : memref<256x16xi32, #tpu.memory_space<hbm>>) dst(%arg5 : memref<256x16xi32, #tpu.memory_space<vmem>>)
      tpu.yield
    }) : () -> ()
    %scan3A = arith.constant 0 : i32
    %scan3A_33 = arith.constant 0 : i32
    %add3A_34 = arith.constant 0 : i32
    %add3A_35 = arith.addi %sub3A_23, %add3A_34 : i32
    %add3A_36 = arith.addi %add3A_35, %scan3A_33 : i32
    %broadcast_in_dim3A = vector.broadcast %add3A_36 : i32 to vector<16xi32>
    %add3A_37 = arith.addi %broadcast_in_dim3A, %get3A_4 : vector<16xi32>
    %get3A_38 = arith.index_cast %scan3A_33 : i32 to index
    %get3A_39 = arith.constant 0 : index
    %get3A_40 = tpu.vector_load %arg5[%get3A_38, %get3A_39] {strides = array<i32>} : memref<256x16xi32, #tpu.memory_space<vmem>>, vector<1x16xi32>,
    %get3A_41 = vector.shape_cast %get3A_40 : vector<1x16xi32> to vector<16xi32>
    %add3A_42 = arith.addi %get3A_41, %get3A_4 : vector<16xi32>
    %mul3A_43 = arith.constant 32 : i32
    %mul3A_44 = arith.muli %mul3A_43, %scan3A_33 : i32
    %lt3A = arith.constant 0 : i32
    %lt3A_45 = vector.broadcast %lt3A : i32 to vector<16xi32>
    %lt3A_46 = arith.cmpi slt, %shift_right_logical3A_25, %lt3A_45 : vector<16xi32>
    %add3A_47 = arith.constant 16 : i32
    %add3A_48 = vector.broadcast %add3A_47 : i32 to vector<16xi32>
    %add3A_49 = arith.addi %shift_right_logical3A_25, %add3A_48 : vector<16xi32>
    %select_n3A_50 = arith.select %lt3A_46, %add3A_49, %shift_right_logical3A_25 : vector<16xi1>, vector<16xi32>
    %broadcast_in_dim3A_51 = vector.shape_cast %select_n3A_50 : vector<16xi32> to vector<16x1xi32>
    %gather3A = vector.shape_cast %broadcast_in_dim3A_51 : vector<16x1xi32> to vector<16xi32>
    %gather3A_52 = tpu.dynamic_gather %add3A_42[%gather3A] in [0] : vector<16xi32>, vector<16xi32> -> vector<16xi32>
    %select_n3A_53 = arith.select %eq3A_30, %add3A_37, %gather3A_52 : vector<16xi1>, vector<16xi32>
    %swap3A = arith.index_cast %mul3A_44 : i32 to index
    %swap3A_54 = tpu.vector_load %arg7[%swap3A] {strides = array<i32>} : memref<8192xi32, #tpu.memory_space<vmem>>, vector<16xi32>,
    %swap3A_55 = vector.shape_cast %swap3A_54 : vector<16xi32> to vector<16xi32>
    %swap3A_56 = vector.shape_cast %select_n3A_53 : vector<16xi32> to vector<16xi32>
    tpu.vector_store %arg7[%swap3A], %swap3A_56 {strides = array<i32>} : memref<8192xi32, #tpu.memory_space<vmem>>, vector<16xi32>,
    %add3A_57 = arith.constant 8 : i32
    %add3A_58 = vector.broadcast %add3A_57 : i32 to vector<16xi32>
    %add3A_59 = arith.addi %shift_right_logical3A_25, %add3A_58 : vector<16xi32>
    %lt3A_60 = arith.constant 0 : i32
    %lt3A_61 = vector.broadcast %lt3A_60 : i32 to vector<16xi32>
    %lt3A_62 = arith.cmpi slt, %add3A_59, %lt3A_61 : vector<16xi32>
    %add3A_63 = arith.constant 16 : i32
    %add3A_64 = vector.broadcast %add3A_63 : i32 to vector<16xi32>
    %add3A_65 = arith.addi %add3A_59, %add3A_64 : vector<16xi32>
    %select_n3A_66 = arith.select %lt3A_62, %add3A_65, %add3A_59 : vector<16xi1>, vector<16xi32>
    %broadcast_in_dim3A_67 = vector.shape_cast %select_n3A_66 : vector<16xi32> to vector<16x1xi32>
    %gather3A_68 = vector.shape_cast %broadcast_in_dim3A_67 : vector<16x1xi32> to vector<16xi32>
    %gather3A_69 = tpu.dynamic_gather %add3A_42[%gather3A_68] in [0] : vector<16xi32>, vector<16xi32> -> vector<16xi32>
    %select_n3A_70 = arith.select %eq3A_30, %add3A_37, %gather3A_69 : vector<16xi1>, vector<16xi32>
    %add3A_71 = arith.constant 16 : i32
    %add3A_72 = arith.addi %mul3A_44, %add3A_71 : i32
    %swap3A_73 = arith.index_cast %add3A_72 : i32 to index
    %swap3A_74 = tpu.vector_load %arg7[%swap3A_73] {strides = array<i32>} : memref<8192xi32, #tpu.memory_space<vmem>>, vector<16xi32>,
    %swap3A_75 = vector.shape_cast %swap3A_74 : vector<16xi32> to vector<16xi32>
    %swap3A_76 = vector.shape_cast %select_n3A_70 : vector<16xi32> to vector<16xi32>
    tpu.vector_store %arg7[%swap3A_73], %swap3A_76 {strides = array<i32>} : memref<8192xi32, #tpu.memory_space<vmem>>, vector<16xi32>,
    %scan3A_77 = arith.constant 1 : i32
    %mul3A_78 = arith.constant 32 : i32
    %mul3A_79 = arith.muli %mul3A_78, %add3A_32 : i32
    "tpu.region"() ({
      %run_scoped3A = tpu.sem_alloc : memref<!tpu.dma_semaphore, #tpu.memory_space<semaphore_mem>>
      %dma_start3A = tpu.memref_slice %arg4[%mul3A_79] : memref<1048576xi32, #tpu.memory_space<hbm>> -> memref<8192xi32, #tpu.memory_space<hbm>>
      %dma_start3A_242 = tpu.memref_slice %arg4[%mul3A_79] : memref<1048576xi32, #tpu.memory_space<hbm>> -> memref<8192xi32, #tpu.memory_space<hbm>>
      tpu.enqueue_dma source(%arg7 : memref<8192xi32, #tpu.memory_space<vmem>>) target(%dma_start3A_242 : memref<8192xi32, #tpu.memory_space<hbm>>) target_semaphore(%run_scoped3A : memref<!tpu.dma_semaphore, #tpu.memory_space<semaphore_mem>>)
      %dma_wait3A = tpu.memref_slice %arg4[%mul3A_79] : memref<1048576xi32, #tpu.memory_space<hbm>> -> memref<8192xi32, #tpu.memory_space<hbm>>
      %dma_wait3A_243 = tpu.memref_slice %arg4[%mul3A_79] : memref<1048576xi32, #tpu.memory_space<hbm>> -> memref<8192xi32, #tpu.memory_space<hbm>>
      tpu.wait_dma2 semaphore(%run_scoped3A : memref<!tpu.dma_semaphore, #tpu.memory_space<semaphore_mem>>) src(%arg7 : memref<8192xi32, #tpu.memory_space<vmem>>) dst(%dma_wait3A_243 : memref<8192xi32, #tpu.memory_space<hbm>>)
      tpu.yield
    }) : () -> ()
    %add3A_80 = arith.constant 256 : i32
    %add3A_81 = arith.addi %mul3A_2, %add3A_80 : i32
    "tpu.region"() ({
      %run_scoped3A = tpu.sem_alloc : memref<!tpu.dma_semaphore, #tpu.memory_space<semaphore_mem>>
      %dma_start3A = arith.constant 0 : i32
      %dma_start3A_242 = tpu.memref_slice %arg2[%add3A_81, %dma_start3A] : memref<32768x16xi32, #tpu.memory_space<hbm>> -> memref<256x16xi32, #tpu.memory_space<hbm>>
      %dma_start3A_243 = arith.constant 0 : i32
      %dma_start3A_244 = tpu.memref_slice %arg2[%add3A_81, %dma_start3A_243] : memref<32768x16xi32, #tpu.memory_space<hbm>> -> memref<256x16xi32, #tpu.memory_space<hbm>>
      tpu.enqueue_dma source(%dma_start3A_244 : memref<256x16xi32, #tpu.memory_space<hbm>>) target(%arg5 : memref<256x16xi32, #tpu.memory_space<vmem>>) target_semaphore(%run_scoped3A : memref<!tpu.dma_semaphore, #tpu.memory_space<semaphore_mem>>)
      %dma_wait3A = arith.constant 0 : i32
      %dma_wait3A_245 = tpu.memref_slice %arg2[%add3A_81, %dma_wait3A] : memref<32768x16xi32, #tpu.memory_space<hbm>> -> memref<256x16xi32, #tpu.memory_space<hbm>>
      %dma_wait3A_246 = arith.constant 0 : i32
      %dma_wait3A_247 = tpu.memref_slice %arg2[%add3A_81, %dma_wait3A_246] : memref<32768x16xi32, #tpu.memory_space<hbm>> -> memref<256x16xi32, #tpu.memory_space<hbm>>
      tpu.wait_dma2 semaphore(%run_scoped3A : memref<!tpu.dma_semaphore, #tpu.memory_space<semaphore_mem>>) src(%dma_wait3A_247 : memref<256x16xi32, #tpu.memory_space<hbm>>) dst(%arg5 : memref<256x16xi32, #tpu.memory_space<vmem>>)
      tpu.yield
    }) : () -> ()
    %scan3A_82 = arith.constant 0 : i32
    %scan3A_83 = arith.constant 0 : i32
    %add3A_84 = arith.constant 256 : i32
    %add3A_85 = arith.addi %sub3A_23, %add3A_84 : i32
    %add3A_86 = arith.addi %add3A_85, %scan3A_83 : i32
    %broadcast_in_dim3A_87 = vector.broadcast %add3A_86 : i32 to vector<16xi32>
    %add3A_88 = arith.addi %broadcast_in_dim3A_87, %get3A_4 : vector<16xi32>
    %get3A_89 = arith.index_cast %scan3A_83 : i32 to index
    %get3A_90 = arith.constant 0 : index
    %get3A_91 = tpu.vector_load %arg5[%get3A_89, %get3A_90] {strides = array<i32>} : memref<256x16xi32, #tpu.memory_space<vmem>>, vector<1x16xi32>,
    %get3A_92 = vector.shape_cast %get3A_91 : vector<1x16xi32> to vector<16xi32>
    %add3A_93 = arith.addi %get3A_92, %get3A_4 : vector<16xi32>
    %mul3A_94 = arith.constant 32 : i32
    %mul3A_95 = arith.muli %mul3A_94, %scan3A_83 : i32
    %lt3A_96 = arith.constant 0 : i32
    %lt3A_97 = vector.broadcast %lt3A_96 : i32 to vector<16xi32>
    %lt3A_98 = arith.cmpi slt, %shift_right_logical3A_25, %lt3A_97 : vector<16xi32>
    %add3A_99 = arith.constant 16 : i32
    %add3A_100 = vector.broadcast %add3A_99 : i32 to vector<16xi32>
    %add3A_101 = arith.addi %shift_right_logical3A_25, %add3A_100 : vector<16xi32>
    %select_n3A_102 = arith.select %lt3A_98, %add3A_101, %shift_right_logical3A_25 : vector<16xi1>, vector<16xi32>
    %broadcast_in_dim3A_103 = vector.shape_cast %select_n3A_102 : vector<16xi32> to vector<16x1xi32>
    %gather3A_104 = vector.shape_cast %broadcast_in_dim3A_103 : vector<16x1xi32> to vector<16xi32>
    %gather3A_105 = tpu.dynamic_gather %add3A_93[%gather3A_104] in [0] : vector<16xi32>, vector<16xi32> -> vector<16xi32>
    %select_n3A_106 = arith.select %eq3A_30, %add3A_88, %gather3A_105 : vector<16xi1>, vector<16xi32>
    %swap3A_107 = arith.index_cast %mul3A_95 : i32 to index
    %swap3A_108 = tpu.vector_load %arg7[%swap3A_107] {strides = array<i32>} : memref<8192xi32, #tpu.memory_space<vmem>>, vector<16xi32>,
    %swap3A_109 = vector.shape_cast %swap3A_108 : vector<16xi32> to vector<16xi32>
    %swap3A_110 = vector.shape_cast %select_n3A_106 : vector<16xi32> to vector<16xi32>
    tpu.vector_store %arg7[%swap3A_107], %swap3A_110 {strides = array<i32>} : memref<8192xi32, #tpu.memory_space<vmem>>, vector<16xi32>,
    %add3A_111 = arith.constant 8 : i32
    %add3A_112 = vector.broadcast %add3A_111 : i32 to vector<16xi32>
    %add3A_113 = arith.addi %shift_right_logical3A_25, %add3A_112 : vector<16xi32>
    %lt3A_114 = arith.constant 0 : i32
    %lt3A_115 = vector.broadcast %lt3A_114 : i32 to vector<16xi32>
    %lt3A_116 = arith.cmpi slt, %add3A_113, %lt3A_115 : vector<16xi32>
    %add3A_117 = arith.constant 16 : i32
    %add3A_118 = vector.broadcast %add3A_117 : i32 to vector<16xi32>
    %add3A_119 = arith.addi %add3A_113, %add3A_118 : vector<16xi32>
    %select_n3A_120 = arith.select %lt3A_116, %add3A_119, %add3A_113 : vector<16xi1>, vector<16xi32>
    %broadcast_in_dim3A_121 = vector.shape_cast %select_n3A_120 : vector<16xi32> to vector<16x1xi32>
    %gather3A_122 = vector.shape_cast %broadcast_in_dim3A_121 : vector<16x1xi32> to vector<16xi32>
    %gather3A_123 = tpu.dynamic_gather %add3A_93[%gather3A_122] in [0] : vector<16xi32>, vector<16xi32> -> vector<16xi32>
    %select_n3A_124 = arith.select %eq3A_30, %add3A_88, %gather3A_123 : vector<16xi1>, vector<16xi32>
    %add3A_125 = arith.constant 16 : i32
    %add3A_126 = arith.addi %mul3A_95, %add3A_125 : i32
    %swap3A_127 = arith.index_cast %add3A_126 : i32 to index
    %swap3A_128 = tpu.vector_load %arg7[%swap3A_127] {strides = array<i32>} : memref<8192xi32, #tpu.memory_space<vmem>>, vector<16xi32>,
    %swap3A_129 = vector.shape_cast %swap3A_128 : vector<16xi32> to vector<16xi32>
    %swap3A_130 = vector.shape_cast %select_n3A_124 : vector<16xi32> to vector<16xi32>
    tpu.vector_store %arg7[%swap3A_127], %swap3A_130 {strides = array<i32>} : memref<8192xi32, #tpu.memory_space<vmem>>, vector<16xi32>,
    %scan3A_131 = arith.constant 1 : i32
    %mul3A_132 = arith.constant 32 : i32
    %mul3A_133 = arith.muli %mul3A_132, %add3A_81 : i32
    "tpu.region"() ({
      %run_scoped3A = tpu.sem_alloc : memref<!tpu.dma_semaphore, #tpu.memory_space<semaphore_mem>>
      %dma_start3A = tpu.memref_slice %arg4[%mul3A_133] : memref<1048576xi32, #tpu.memory_space<hbm>> -> memref<8192xi32, #tpu.memory_space<hbm>>
      %dma_start3A_242 = tpu.memref_slice %arg4[%mul3A_133] : memref<1048576xi32, #tpu.memory_space<hbm>> -> memref<8192xi32, #tpu.memory_space<hbm>>
      tpu.enqueue_dma source(%arg7 : memref<8192xi32, #tpu.memory_space<vmem>>) target(%dma_start3A_242 : memref<8192xi32, #tpu.memory_space<hbm>>) target_semaphore(%run_scoped3A : memref<!tpu.dma_semaphore, #tpu.memory_space<semaphore_mem>>)
      %dma_wait3A = tpu.memref_slice %arg4[%mul3A_133] : memref<1048576xi32, #tpu.memory_space<hbm>> -> memref<8192xi32, #tpu.memory_space<hbm>>
      %dma_wait3A_243 = tpu.memref_slice %arg4[%mul3A_133] : memref<1048576xi32, #tpu.memory_space<hbm>> -> memref<8192xi32, #tpu.memory_space<hbm>>
      tpu.wait_dma2 semaphore(%run_scoped3A : memref<!tpu.dma_semaphore, #tpu.memory_space<semaphore_mem>>) src(%arg7 : memref<8192xi32, #tpu.memory_space<vmem>>) dst(%dma_wait3A_243 : memref<8192xi32, #tpu.memory_space<hbm>>)
      tpu.yield
    }) : () -> ()
    %add3A_134 = arith.constant 512 : i32
    %add3A_135 = arith.addi %mul3A_2, %add3A_134 : i32
    "tpu.region"() ({
      %run_scoped3A = tpu.sem_alloc : memref<!tpu.dma_semaphore, #tpu.memory_space<semaphore_mem>>
      %dma_start3A = arith.constant 0 : i32
      %dma_start3A_242 = tpu.memref_slice %arg2[%add3A_135, %dma_start3A] : memref<32768x16xi32, #tpu.memory_space<hbm>> -> memref<256x16xi32, #tpu.memory_space<hbm>>
      %dma_start3A_243 = arith.constant 0 : i32
      %dma_start3A_244 = tpu.memref_slice %arg2[%add3A_135, %dma_start3A_243] : memref<32768x16xi32, #tpu.memory_space<hbm>> -> memref<256x16xi32, #tpu.memory_space<hbm>>
      tpu.enqueue_dma source(%dma_start3A_244 : memref<256x16xi32, #tpu.memory_space<hbm>>) target(%arg5 : memref<256x16xi32, #tpu.memory_space<vmem>>) target_semaphore(%run_scoped3A : memref<!tpu.dma_semaphore, #tpu.memory_space<semaphore_mem>>)
      %dma_wait3A = arith.constant 0 : i32
      %dma_wait3A_245 = tpu.memref_slice %arg2[%add3A_135, %dma_wait3A] : memref<32768x16xi32, #tpu.memory_space<hbm>> -> memref<256x16xi32, #tpu.memory_space<hbm>>
      %dma_wait3A_246 = arith.constant 0 : i32
      %dma_wait3A_247 = tpu.memref_slice %arg2[%add3A_135, %dma_wait3A_246] : memref<32768x16xi32, #tpu.memory_space<hbm>> -> memref<256x16xi32, #tpu.memory_space<hbm>>
      tpu.wait_dma2 semaphore(%run_scoped3A : memref<!tpu.dma_semaphore, #tpu.memory_space<semaphore_mem>>) src(%dma_wait3A_247 : memref<256x16xi32, #tpu.memory_space<hbm>>) dst(%arg5 : memref<256x16xi32, #tpu.memory_space<vmem>>)
      tpu.yield
    }) : () -> ()
    %scan3A_136 = arith.constant 0 : i32
    %scan3A_137 = arith.constant 0 : i32
    %add3A_138 = arith.constant 512 : i32
    %add3A_139 = arith.addi %sub3A_23, %add3A_138 : i32
    %add3A_140 = arith.addi %add3A_139, %scan3A_137 : i32
    %broadcast_in_dim3A_141 = vector.broadcast %add3A_140 : i32 to vector<16xi32>
    %add3A_142 = arith.addi %broadcast_in_dim3A_141, %get3A_4 : vector<16xi32>
    %get3A_143 = arith.index_cast %scan3A_137 : i32 to index
    %get3A_144 = arith.constant 0 : index
    %get3A_145 = tpu.vector_load %arg5[%get3A_143, %get3A_144] {strides = array<i32>} : memref<256x16xi32, #tpu.memory_space<vmem>>, vector<1x16xi32>,
    %get3A_146 = vector.shape_cast %get3A_145 : vector<1x16xi32> to vector<16xi32>
    %add3A_147 = arith.addi %get3A_146, %get3A_4 : vector<16xi32>
    %mul3A_148 = arith.constant 32 : i32
    %mul3A_149 = arith.muli %mul3A_148, %scan3A_137 : i32
    %lt3A_150 = arith.constant 0 : i32
    %lt3A_151 = vector.broadcast %lt3A_150 : i32 to vector<16xi32>
    %lt3A_152 = arith.cmpi slt, %shift_right_logical3A_25, %lt3A_151 : vector<16xi32>
    %add3A_153 = arith.constant 16 : i32
    %add3A_154 = vector.broadcast %add3A_153 : i32 to vector<16xi32>
    %add3A_155 = arith.addi %shift_right_logical3A_25, %add3A_154 : vector<16xi32>
    %select_n3A_156 = arith.select %lt3A_152, %add3A_155, %shift_right_logical3A_25 : vector<16xi1>, vector<16xi32>
    %broadcast_in_dim3A_157 = vector.shape_cast %select_n3A_156 : vector<16xi32> to vector<16x1xi32>
    %gather3A_158 = vector.shape_cast %broadcast_in_dim3A_157 : vector<16x1xi32> to vector<16xi32>
    %gather3A_159 = tpu.dynamic_gather %add3A_147[%gather3A_158] in [0] : vector<16xi32>, vector<16xi32> -> vector<16xi32>
    %select_n3A_160 = arith.select %eq3A_30, %add3A_142, %gather3A_159 : vector<16xi1>, vector<16xi32>
    %swap3A_161 = arith.index_cast %mul3A_149 : i32 to index
    %swap3A_162 = tpu.vector_load %arg7[%swap3A_161] {strides = array<i32>} : memref<8192xi32, #tpu.memory_space<vmem>>, vector<16xi32>,
    %swap3A_163 = vector.shape_cast %swap3A_162 : vector<16xi32> to vector<16xi32>
    %swap3A_164 = vector.shape_cast %select_n3A_160 : vector<16xi32> to vector<16xi32>
    tpu.vector_store %arg7[%swap3A_161], %swap3A_164 {strides = array<i32>} : memref<8192xi32, #tpu.memory_space<vmem>>, vector<16xi32>,
    %add3A_165 = arith.constant 8 : i32
    %add3A_166 = vector.broadcast %add3A_165 : i32 to vector<16xi32>
    %add3A_167 = arith.addi %shift_right_logical3A_25, %add3A_166 : vector<16xi32>
    %lt3A_168 = arith.constant 0 : i32
    %lt3A_169 = vector.broadcast %lt3A_168 : i32 to vector<16xi32>
    %lt3A_170 = arith.cmpi slt, %add3A_167, %lt3A_169 : vector<16xi32>
    %add3A_171 = arith.constant 16 : i32
    %add3A_172 = vector.broadcast %add3A_171 : i32 to vector<16xi32>
    %add3A_173 = arith.addi %add3A_167, %add3A_172 : vector<16xi32>
    %select_n3A_174 = arith.select %lt3A_170, %add3A_173, %add3A_167 : vector<16xi1>, vector<16xi32>
    %broadcast_in_dim3A_175 = vector.shape_cast %select_n3A_174 : vector<16xi32> to vector<16x1xi32>
    %gather3A_176 = vector.shape_cast %broadcast_in_dim3A_175 : vector<16x1xi32> to vector<16xi32>
    %gather3A_177 = tpu.dynamic_gather %add3A_147[%gather3A_176] in [0] : vector<16xi32>, vector<16xi32> -> vector<16xi32>
    %select_n3A_178 = arith.select %eq3A_30, %add3A_142, %gather3A_177 : vector<16xi1>, vector<16xi32>
    %add3A_179 = arith.constant 16 : i32
    %add3A_180 = arith.addi %mul3A_149, %add3A_179 : i32
    %swap3A_181 = arith.index_cast %add3A_180 : i32 to index
    %swap3A_182 = tpu.vector_load %arg7[%swap3A_181] {strides = array<i32>} : memref<8192xi32, #tpu.memory_space<vmem>>, vector<16xi32>,
    %swap3A_183 = vector.shape_cast %swap3A_182 : vector<16xi32> to vector<16xi32>
    %swap3A_184 = vector.shape_cast %select_n3A_178 : vector<16xi32> to vector<16xi32>
    tpu.vector_store %arg7[%swap3A_181], %swap3A_184 {strides = array<i32>} : memref<8192xi32, #tpu.memory_space<vmem>>, vector<16xi32>,
    %scan3A_185 = arith.constant 1 : i32
    %mul3A_186 = arith.constant 32 : i32
    %mul3A_187 = arith.muli %mul3A_186, %add3A_135 : i32
    "tpu.region"() ({
      %run_scoped3A = tpu.sem_alloc : memref<!tpu.dma_semaphore, #tpu.memory_space<semaphore_mem>>
      %dma_start3A = tpu.memref_slice %arg4[%mul3A_187] : memref<1048576xi32, #tpu.memory_space<hbm>> -> memref<8192xi32, #tpu.memory_space<hbm>>
      %dma_start3A_242 = tpu.memref_slice %arg4[%mul3A_187] : memref<1048576xi32, #tpu.memory_space<hbm>> -> memref<8192xi32, #tpu.memory_space<hbm>>
      tpu.enqueue_dma source(%arg7 : memref<8192xi32, #tpu.memory_space<vmem>>) target(%dma_start3A_242 : memref<8192xi32, #tpu.memory_space<hbm>>) target_semaphore(%run_scoped3A : memref<!tpu.dma_semaphore, #tpu.memory_space<semaphore_mem>>)
      %dma_wait3A = tpu.memref_slice %arg4[%mul3A_187] : memref<1048576xi32, #tpu.memory_space<hbm>> -> memref<8192xi32, #tpu.memory_space<hbm>>
      %dma_wait3A_243 = tpu.memref_slice %arg4[%mul3A_187] : memref<1048576xi32, #tpu.memory_space<hbm>> -> memref<8192xi32, #tpu.memory_space<hbm>>
      tpu.wait_dma2 semaphore(%run_scoped3A : memref<!tpu.dma_semaphore, #tpu.memory_space<semaphore_mem>>) src(%arg7 : memref<8192xi32, #tpu.memory_space<vmem>>) dst(%dma_wait3A_243 : memref<8192xi32, #tpu.memory_space<hbm>>)
      tpu.yield
    }) : () -> ()
    %add3A_188 = arith.constant 768 : i32
    %add3A_189 = arith.addi %mul3A_2, %add3A_188 : i32
    "tpu.region"() ({
      %run_scoped3A = tpu.sem_alloc : memref<!tpu.dma_semaphore, #tpu.memory_space<semaphore_mem>>
      %dma_start3A = arith.constant 0 : i32
      %dma_start3A_242 = tpu.memref_slice %arg2[%add3A_189, %dma_start3A] : memref<32768x16xi32, #tpu.memory_space<hbm>> -> memref<256x16xi32, #tpu.memory_space<hbm>>
      %dma_start3A_243 = arith.constant 0 : i32
      %dma_start3A_244 = tpu.memref_slice %arg2[%add3A_189, %dma_start3A_243] : memref<32768x16xi32, #tpu.memory_space<hbm>> -> memref<256x16xi32, #tpu.memory_space<hbm>>
      tpu.enqueue_dma source(%dma_start3A_244 : memref<256x16xi32, #tpu.memory_space<hbm>>) target(%arg5 : memref<256x16xi32, #tpu.memory_space<vmem>>) target_semaphore(%run_scoped3A : memref<!tpu.dma_semaphore, #tpu.memory_space<semaphore_mem>>)
      %dma_wait3A = arith.constant 0 : i32
      %dma_wait3A_245 = tpu.memref_slice %arg2[%add3A_189, %dma_wait3A] : memref<32768x16xi32, #tpu.memory_space<hbm>> -> memref<256x16xi32, #tpu.memory_space<hbm>>
      %dma_wait3A_246 = arith.constant 0 : i32
      %dma_wait3A_247 = tpu.memref_slice %arg2[%add3A_189, %dma_wait3A_246] : memref<32768x16xi32, #tpu.memory_space<hbm>> -> memref<256x16xi32, #tpu.memory_space<hbm>>
      tpu.wait_dma2 semaphore(%run_scoped3A : memref<!tpu.dma_semaphore, #tpu.memory_space<semaphore_mem>>) src(%dma_wait3A_247 : memref<256x16xi32, #tpu.memory_space<hbm>>) dst(%arg5 : memref<256x16xi32, #tpu.memory_space<vmem>>)
      tpu.yield
    }) : () -> ()
    %scan3A_190 = arith.constant 0 : i32
    %scan3A_191 = arith.constant 0 : i32
    %add3A_192 = arith.constant 768 : i32
    %add3A_193 = arith.addi %sub3A_23, %add3A_192 : i32
    %add3A_194 = arith.addi %add3A_193, %scan3A_191 : i32
    %broadcast_in_dim3A_195 = vector.broadcast %add3A_194 : i32 to vector<16xi32>
    %add3A_196 = arith.addi %broadcast_in_dim3A_195, %get3A_4 : vector<16xi32>
    %get3A_197 = arith.index_cast %scan3A_191 : i32 to index
    %get3A_198 = arith.constant 0 : index
    %get3A_199 = tpu.vector_load %arg5[%get3A_197, %get3A_198] {strides = array<i32>} : memref<256x16xi32, #tpu.memory_space<vmem>>, vector<1x16xi32>,
    %get3A_200 = vector.shape_cast %get3A_199 : vector<1x16xi32> to vector<16xi32>
    %add3A_201 = arith.addi %get3A_200, %get3A_4 : vector<16xi32>
    %mul3A_202 = arith.constant 32 : i32
    %mul3A_203 = arith.muli %mul3A_202, %scan3A_191 : i32
    %lt3A_204 = arith.constant 0 : i32
    %lt3A_205 = vector.broadcast %lt3A_204 : i32 to vector<16xi32>
    %lt3A_206 = arith.cmpi slt, %shift_right_logical3A_25, %lt3A_205 : vector<16xi32>
    %add3A_207 = arith.constant 16 : i32
    %add3A_208 = vector.broadcast %add3A_207 : i32 to vector<16xi32>
    %add3A_209 = arith.addi %shift_right_logical3A_25, %add3A_208 : vector<16xi32>
    %select_n3A_210 = arith.select %lt3A_206, %add3A_209, %shift_right_logical3A_25 : vector<16xi1>, vector<16xi32>
    %broadcast_in_dim3A_211 = vector.shape_cast %select_n3A_210 : vector<16xi32> to vector<16x1xi32>
    %gather3A_212 = vector.shape_cast %broadcast_in_dim3A_211 : vector<16x1xi32> to vector<16xi32>
    %gather3A_213 = tpu.dynamic_gather %add3A_201[%gather3A_212] in [0] : vector<16xi32>, vector<16xi32> -> vector<16xi32>
    %select_n3A_214 = arith.select %eq3A_30, %add3A_196, %gather3A_213 : vector<16xi1>, vector<16xi32>
    %swap3A_215 = arith.index_cast %mul3A_203 : i32 to index
    %swap3A_216 = tpu.vector_load %arg7[%swap3A_215] {strides = array<i32>} : memref<8192xi32, #tpu.memory_space<vmem>>, vector<16xi32>,
    %swap3A_217 = vector.shape_cast %swap3A_216 : vector<16xi32> to vector<16xi32>
    %swap3A_218 = vector.shape_cast %select_n3A_214 : vector<16xi32> to vector<16xi32>
    tpu.vector_store %arg7[%swap3A_215], %swap3A_218 {strides = array<i32>} : memref<8192xi32, #tpu.memory_space<vmem>>, vector<16xi32>,
    %add3A_219 = arith.constant 8 : i32
    %add3A_220 = vector.broadcast %add3A_219 : i32 to vector<16xi32>
    %add3A_221 = arith.addi %shift_right_logical3A_25, %add3A_220 : vector<16xi32>
    %lt3A_222 = arith.constant 0 : i32
    %lt3A_223 = vector.broadcast %lt3A_222 : i32 to vector<16xi32>
    %lt3A_224 = arith.cmpi slt, %add3A_221, %lt3A_223 : vector<16xi32>
    %add3A_225 = arith.constant 16 : i32
    %add3A_226 = vector.broadcast %add3A_225 : i32 to vector<16xi32>
    %add3A_227 = arith.addi %add3A_221, %add3A_226 : vector<16xi32>
    %select_n3A_228 = arith.select %lt3A_224, %add3A_227, %add3A_221 : vector<16xi1>, vector<16xi32>
    %broadcast_in_dim3A_229 = vector.shape_cast %select_n3A_228 : vector<16xi32> to vector<16x1xi32>
    %gather3A_230 = vector.shape_cast %broadcast_in_dim3A_229 : vector<16x1xi32> to vector<16xi32>
    %gather3A_231 = tpu.dynamic_gather %add3A_201[%gather3A_230] in [0] : vector<16xi32>, vector<16xi32> -> vector<16xi32>
    %select_n3A_232 = arith.select %eq3A_30, %add3A_196, %gather3A_231 : vector<16xi1>, vector<16xi32>
    %add3A_233 = arith.constant 16 : i32
    %add3A_234 = arith.addi %mul3A_203, %add3A_233 : i32
    %swap3A_235 = arith.index_cast %add3A_234 : i32 to index
    %swap3A_236 = tpu.vector_load %arg7[%swap3A_235] {strides = array<i32>} : memref<8192xi32, #tpu.memory_space<vmem>>, vector<16xi32>,
    %swap3A_237 = vector.shape_cast %swap3A_236 : vector<16xi32> to vector<16xi32>
    %swap3A_238 = vector.shape_cast %select_n3A_232 : vector<16xi32> to vector<16xi32>
    tpu.vector_store %arg7[%swap3A_235], %swap3A_238 {strides = array<i32>} : memref<8192xi32, #tpu.memory_space<vmem>>, vector<16xi32>,
    %scan3A_239 = arith.constant 1 : i32
    %mul3A_240 = arith.constant 32 : i32
    %mul3A_241 = arith.muli %mul3A_240, %add3A_189 : i32
    "tpu.region"() ({
      %run_scoped3A = tpu.sem_alloc : memref<!tpu.dma_semaphore, #tpu.memory_space<semaphore_mem>>
      %dma_start3A = tpu.memref_slice %arg4[%mul3A_241] : memref<1048576xi32, #tpu.memory_space<hbm>> -> memref<8192xi32, #tpu.memory_space<hbm>>
      %dma_start3A_242 = tpu.memref_slice %arg4[%mul3A_241] : memref<1048576xi32, #tpu.memory_space<hbm>> -> memref<8192xi32, #tpu.memory_space<hbm>>
      tpu.enqueue_dma source(%arg7 : memref<8192xi32, #tpu.memory_space<vmem>>) target(%dma_start3A_242 : memref<8192xi32, #tpu.memory_space<hbm>>) target_semaphore(%run_scoped3A : memref<!tpu.dma_semaphore, #tpu.memory_space<semaphore_mem>>)
      %dma_wait3A = tpu.memref_slice %arg4[%mul3A_241] : memref<1048576xi32, #tpu.memory_space<hbm>> -> memref<8192xi32, #tpu.memory_space<hbm>>
      %dma_wait3A_243 = tpu.memref_slice %arg4[%mul3A_241] : memref<1048576xi32, #tpu.memory_space<hbm>> -> memref<8192xi32, #tpu.memory_space<hbm>>
      tpu.wait_dma2 semaphore(%run_scoped3A : memref<!tpu.dma_semaphore, #tpu.memory_space<semaphore_mem>>) src(%arg7 : memref<8192xi32, #tpu.memory_space<vmem>>) dst(%dma_wait3A_243 : memref<8192xi32, #tpu.memory_space<hbm>>)
      tpu.yield
    }) : () -> ()
    return
  }
}

module attributes {stable_mosaic.version = 14 : i64} {
  func.func @_topk_body(%arg0: i32, %arg1: memref<512x64xf32, #tpu.memory_space<vmem>>, %arg2: memref<4096x64xf32, #tpu.memory_space<vmem>>, %arg3: memref<512x16xi32, #tpu.memory_space<vmem>>, %arg4: memref<1x4096xf32, #tpu.memory_space<vmem>>, %arg5: memref<512x256xf32, #tpu.memory_space<vmem>>, %arg6: memref<512x256xf32, #tpu.memory_space<vmem>>, %arg7: memref<512x256xf32, #tpu.memory_space<vmem>>, %arg8: memref<512x256xf32, #tpu.memory_space<vmem>>) attributes {dimension_semantics = [#tpu.dimension_semantics<arbitrary>], iteration_bounds = array<i64: 64>, scalar_prefetch = 0 : i64, scratch_operands = 5 : i64, tpu.core_type = #tpu.core_type<tc>, window_params = [{transform_indices = @transform_0, window_bounds = array<i64: 512, 64>}, {transform_indices = @transform_1, window_bounds = array<i64: 4096, 64>}, {transform_indices = @transform_2, window_bounds = array<i64: 512, 16>}]} {
    %jit3A = arith.constant 8 : i32
    %eq3A = arith.constant 0 : i32
    %eq3A_0 = arith.cmpi eq, %jit3A, %eq3A : i32
    %jit3A_1 = arith.constant 1 : i32
    %select_n3A = arith.select %eq3A_0, %jit3A_1, %jit3A : i32
    %rem3A = arith.remsi %arg0, %select_n3A : i32
    %ne3A = arith.constant 0 : i32
    %ne3A_2 = arith.cmpi ne, %rem3A, %ne3A : i32
    %lt3A = arith.constant 0 : i32
    %lt3A_3 = arith.cmpi slt, %rem3A, %lt3A : i32
    %lt3A_4 = arith.constant 0 : i32
    %lt3A_5 = arith.cmpi slt, %select_n3A, %lt3A_4 : i32
    %ne3A_6 = arith.xori %lt3A_3, %lt3A_5 : i1
    %and3A = arith.andi %ne3A_6, %ne3A_2 : i1
    %add3A = arith.addi %rem3A, %select_n3A : i32
    %select_n3A_7 = arith.select %and3A, %add3A, %rem3A : i32
    %eq3A_8 = arith.constant 0 : i32
    %eq3A_9 = arith.cmpi eq, %select_n3A_7, %eq3A_8 : i32
    %convert_element_type3A = arith.extui %eq3A_9 : i1 to i32
    %cond3A = arith.constant 0 : i32
    %cond3A_10 = arith.cmpi ne, %convert_element_type3A, %cond3A : i32
    scf.if %cond3A_10 {
      %get3A_1132 = arith.constant 0 : index
      %get3A_1133 = arith.constant 0 : index
      %get3A_1134 = vector.load %arg2[%get3A_1132, %get3A_1133] : memref<4096x64xf32, #tpu.memory_space<vmem>>, vector<4096x64xf32>
      %mul3A_1135 = arith.mulf %get3A_1134, %get3A_1134 : vector<4096x64xf32>
      %reduce_sum3A_1136 = arith.constant dense<0.000000e+00> : vector<4096xf32>
      %reduce_sum3A_1137 = vector.multi_reduction <add>, %mul3A_1135, %reduce_sum3A_1136 [1] : vector<4096x64xf32> to vector<4096xf32>
      %broadcast_in_dim3A_1138 = vector.shape_cast %reduce_sum3A_1137 : vector<4096xf32> to vector<1x4096xf32>
      %mul3A_1139 = arith.constant 5.000000e-01 : f32
      %mul3A_1140 = vector.broadcast %mul3A_1139 : f32 to vector<1x4096xf32>
      %mul3A_1141 = arith.mulf %mul3A_1140, %broadcast_in_dim3A_1138 : vector<1x4096xf32>
      %swap3A_1142 = arith.constant 0 : index
      %swap3A_1143 = arith.constant 0 : index
      %swap3A_1144 = vector.load %arg4[%swap3A_1142, %swap3A_1143] : memref<1x4096xf32, #tpu.memory_space<vmem>>, vector<1x4096xf32>
      tpu.vector_store %arg4[%swap3A_1142, %swap3A_1143], %mul3A_1141 {strides = array<i32>} : memref<1x4096xf32, #tpu.memory_space<vmem>>, vector<1x4096xf32>,
    } else {
    }
    %get3A = arith.constant 0 : index
    %get3A_11 = arith.constant 0 : index
    %get3A_12 = vector.load %arg1[%get3A, %get3A_11] : memref<512x64xf32, #tpu.memory_space<vmem>>, vector<512x64xf32>
    %mul3A = arith.mulf %get3A_12, %get3A_12 : vector<512x64xf32>
    %reduce_sum3A = arith.constant dense<0.000000e+00> : vector<512xf32>
    %reduce_sum3A_13 = vector.multi_reduction <add>, %mul3A, %reduce_sum3A [1] : vector<512x64xf32> to vector<512xf32>
    %broadcast_in_dim3A = vector.shape_cast %reduce_sum3A_13 : vector<512xf32> to vector<512x1xf32>
    %mul3A_14 = arith.constant 5.000000e-01 : f32
    %mul3A_15 = vector.broadcast %mul3A_14 : f32 to vector<512x1xf32>
    %mul3A_16 = arith.mulf %mul3A_15, %broadcast_in_dim3A : vector<512x1xf32>
    %get3A_17 = arith.constant 0 : index
    %get3A_18 = arith.constant 0 : index
    %get3A_19 = vector.load %arg2[%get3A_17, %get3A_18] : memref<4096x64xf32, #tpu.memory_space<vmem>>, vector<4096x64xf32>
    %dot_general3A = arith.constant dense<0.000000e+00> : vector<512x4096xf32>
    %dot_general3A_20 = tpu.matmul %get3A_12, %get3A_19, %dot_general3A {dimension_numbers = #tpu.dot_dimension_numbers<[1], [1], [0], [0], [0, 0, 1, 0], [], []>, transpose_lhs_hint = false} : vector<512x64xf32>, vector<4096x64xf32>, vector<512x4096xf32> -> vector<512x4096xf32>
    %get3A_21 = arith.constant 0 : index
    %get3A_22 = arith.constant 0 : index
    %get3A_23 = vector.load %arg4[%get3A_21, %get3A_22] : memref<1x4096xf32, #tpu.memory_space<vmem>>, vector<1x4096xf32>
    %add3A_24 = vector.broadcast %mul3A_16 : vector<512x1xf32> to vector<512x4096xf32>
    %add3A_25 = vector.broadcast %get3A_23 : vector<1x4096xf32> to vector<512x4096xf32>
    %add3A_26 = arith.addf %add3A_24, %add3A_25 : vector<512x4096xf32>
    %sub3A = arith.subf %add3A_26, %dot_general3A_20 : vector<512x4096xf32>
    %bitcast_convert_type3A = tpu.bitcast %sub3A : vector<512x4096xf32> -> vector<512x4096xi32>
    %slice3A = vector.extract_strided_slice %bitcast_convert_type3A {offsets = [0, 0], sizes = [512, 256], strides = [1, 1]} : vector<512x4096xi32> to vector<512x256xi32>
    %and3A_27 = arith.constant -16 : i32
    %and3A_28 = vector.broadcast %and3A_27 : i32 to vector<512x256xi32>
    %and3A_29 = arith.andi %slice3A, %and3A_28 : vector<512x256xi32>
    %or3A = arith.constant 0 : i32
    %or3A_30 = vector.broadcast %or3A : i32 to vector<512x256xi32>
    %or3A_31 = arith.ori %and3A_29, %or3A_30 : vector<512x256xi32>
    %bitcast_convert_type3A_32 = tpu.bitcast %or3A_31 : vector<512x256xi32> -> vector<512x256xf32>
    %slice3A_33 = vector.extract_strided_slice %bitcast_convert_type3A {offsets = [0, 256], sizes = [512, 256], strides = [1, 1]} : vector<512x4096xi32> to vector<512x256xi32>
    %and3A_34 = arith.constant -16 : i32
    %and3A_35 = vector.broadcast %and3A_34 : i32 to vector<512x256xi32>
    %and3A_36 = arith.andi %slice3A_33, %and3A_35 : vector<512x256xi32>
    %or3A_37 = arith.constant 1 : i32
    %or3A_38 = vector.broadcast %or3A_37 : i32 to vector<512x256xi32>
    %or3A_39 = arith.ori %and3A_36, %or3A_38 : vector<512x256xi32>
    %bitcast_convert_type3A_40 = tpu.bitcast %or3A_39 : vector<512x256xi32> -> vector<512x256xf32>
    %slice3A_41 = vector.extract_strided_slice %bitcast_convert_type3A {offsets = [0, 512], sizes = [512, 256], strides = [1, 1]} : vector<512x4096xi32> to vector<512x256xi32>
    %and3A_42 = arith.constant -16 : i32
    %and3A_43 = vector.broadcast %and3A_42 : i32 to vector<512x256xi32>
    %and3A_44 = arith.andi %slice3A_41, %and3A_43 : vector<512x256xi32>
    %or3A_45 = arith.constant 2 : i32
    %or3A_46 = vector.broadcast %or3A_45 : i32 to vector<512x256xi32>
    %or3A_47 = arith.ori %and3A_44, %or3A_46 : vector<512x256xi32>
    %bitcast_convert_type3A_48 = tpu.bitcast %or3A_47 : vector<512x256xi32> -> vector<512x256xf32>
    %slice3A_49 = vector.extract_strided_slice %bitcast_convert_type3A {offsets = [0, 768], sizes = [512, 256], strides = [1, 1]} : vector<512x4096xi32> to vector<512x256xi32>
    %and3A_50 = arith.constant -16 : i32
    %and3A_51 = vector.broadcast %and3A_50 : i32 to vector<512x256xi32>
    %and3A_52 = arith.andi %slice3A_49, %and3A_51 : vector<512x256xi32>
    %or3A_53 = arith.constant 3 : i32
    %or3A_54 = vector.broadcast %or3A_53 : i32 to vector<512x256xi32>
    %or3A_55 = arith.ori %and3A_52, %or3A_54 : vector<512x256xi32>
    %bitcast_convert_type3A_56 = tpu.bitcast %or3A_55 : vector<512x256xi32> -> vector<512x256xf32>
    %slice3A_57 = vector.extract_strided_slice %bitcast_convert_type3A {offsets = [0, 1024], sizes = [512, 256], strides = [1, 1]} : vector<512x4096xi32> to vector<512x256xi32>
    %and3A_58 = arith.constant -16 : i32
    %and3A_59 = vector.broadcast %and3A_58 : i32 to vector<512x256xi32>
    %and3A_60 = arith.andi %slice3A_57, %and3A_59 : vector<512x256xi32>
    %or3A_61 = arith.constant 4 : i32
    %or3A_62 = vector.broadcast %or3A_61 : i32 to vector<512x256xi32>
    %or3A_63 = arith.ori %and3A_60, %or3A_62 : vector<512x256xi32>
    %bitcast_convert_type3A_64 = tpu.bitcast %or3A_63 : vector<512x256xi32> -> vector<512x256xf32>
    %slice3A_65 = vector.extract_strided_slice %bitcast_convert_type3A {offsets = [0, 1280], sizes = [512, 256], strides = [1, 1]} : vector<512x4096xi32> to vector<512x256xi32>
    %and3A_66 = arith.constant -16 : i32
    %and3A_67 = vector.broadcast %and3A_66 : i32 to vector<512x256xi32>
    %and3A_68 = arith.andi %slice3A_65, %and3A_67 : vector<512x256xi32>
    %or3A_69 = arith.constant 5 : i32
    %or3A_70 = vector.broadcast %or3A_69 : i32 to vector<512x256xi32>
    %or3A_71 = arith.ori %and3A_68, %or3A_70 : vector<512x256xi32>
    %bitcast_convert_type3A_72 = tpu.bitcast %or3A_71 : vector<512x256xi32> -> vector<512x256xf32>
    %slice3A_73 = vector.extract_strided_slice %bitcast_convert_type3A {offsets = [0, 1536], sizes = [512, 256], strides = [1, 1]} : vector<512x4096xi32> to vector<512x256xi32>
    %and3A_74 = arith.constant -16 : i32
    %and3A_75 = vector.broadcast %and3A_74 : i32 to vector<512x256xi32>
    %and3A_76 = arith.andi %slice3A_73, %and3A_75 : vector<512x256xi32>
    %or3A_77 = arith.constant 6 : i32
    %or3A_78 = vector.broadcast %or3A_77 : i32 to vector<512x256xi32>
    %or3A_79 = arith.ori %and3A_76, %or3A_78 : vector<512x256xi32>
    %bitcast_convert_type3A_80 = tpu.bitcast %or3A_79 : vector<512x256xi32> -> vector<512x256xf32>
    %slice3A_81 = vector.extract_strided_slice %bitcast_convert_type3A {offsets = [0, 1792], sizes = [512, 256], strides = [1, 1]} : vector<512x4096xi32> to vector<512x256xi32>
    %and3A_82 = arith.constant -16 : i32
    %and3A_83 = vector.broadcast %and3A_82 : i32 to vector<512x256xi32>
    %and3A_84 = arith.andi %slice3A_81, %and3A_83 : vector<512x256xi32>
    %or3A_85 = arith.constant 7 : i32
    %or3A_86 = vector.broadcast %or3A_85 : i32 to vector<512x256xi32>
    %or3A_87 = arith.ori %and3A_84, %or3A_86 : vector<512x256xi32>
    %bitcast_convert_type3A_88 = tpu.bitcast %or3A_87 : vector<512x256xi32> -> vector<512x256xf32>
    %slice3A_89 = vector.extract_strided_slice %bitcast_convert_type3A {offsets = [0, 2048], sizes = [512, 256], strides = [1, 1]} : vector<512x4096xi32> to vector<512x256xi32>
    %and3A_90 = arith.constant -16 : i32
    %and3A_91 = vector.broadcast %and3A_90 : i32 to vector<512x256xi32>
    %and3A_92 = arith.andi %slice3A_89, %and3A_91 : vector<512x256xi32>
    %or3A_93 = arith.constant 8 : i32
    %or3A_94 = vector.broadcast %or3A_93 : i32 to vector<512x256xi32>
    %or3A_95 = arith.ori %and3A_92, %or3A_94 : vector<512x256xi32>
    %bitcast_convert_type3A_96 = tpu.bitcast %or3A_95 : vector<512x256xi32> -> vector<512x256xf32>
    %slice3A_97 = vector.extract_strided_slice %bitcast_convert_type3A {offsets = [0, 2304], sizes = [512, 256], strides = [1, 1]} : vector<512x4096xi32> to vector<512x256xi32>
    %and3A_98 = arith.constant -16 : i32
    %and3A_99 = vector.broadcast %and3A_98 : i32 to vector<512x256xi32>
    %and3A_100 = arith.andi %slice3A_97, %and3A_99 : vector<512x256xi32>
    %or3A_101 = arith.constant 9 : i32
    %or3A_102 = vector.broadcast %or3A_101 : i32 to vector<512x256xi32>
    %or3A_103 = arith.ori %and3A_100, %or3A_102 : vector<512x256xi32>
    %bitcast_convert_type3A_104 = tpu.bitcast %or3A_103 : vector<512x256xi32> -> vector<512x256xf32>
    %slice3A_105 = vector.extract_strided_slice %bitcast_convert_type3A {offsets = [0, 2560], sizes = [512, 256], strides = [1, 1]} : vector<512x4096xi32> to vector<512x256xi32>
    %and3A_106 = arith.constant -16 : i32
    %and3A_107 = vector.broadcast %and3A_106 : i32 to vector<512x256xi32>
    %and3A_108 = arith.andi %slice3A_105, %and3A_107 : vector<512x256xi32>
    %or3A_109 = arith.constant 10 : i32
    %or3A_110 = vector.broadcast %or3A_109 : i32 to vector<512x256xi32>
    %or3A_111 = arith.ori %and3A_108, %or3A_110 : vector<512x256xi32>
    %bitcast_convert_type3A_112 = tpu.bitcast %or3A_111 : vector<512x256xi32> -> vector<512x256xf32>
    %slice3A_113 = vector.extract_strided_slice %bitcast_convert_type3A {offsets = [0, 2816], sizes = [512, 256], strides = [1, 1]} : vector<512x4096xi32> to vector<512x256xi32>
    %and3A_114 = arith.constant -16 : i32
    %and3A_115 = vector.broadcast %and3A_114 : i32 to vector<512x256xi32>
    %and3A_116 = arith.andi %slice3A_113, %and3A_115 : vector<512x256xi32>
    %or3A_117 = arith.constant 11 : i32
    %or3A_118 = vector.broadcast %or3A_117 : i32 to vector<512x256xi32>
    %or3A_119 = arith.ori %and3A_116, %or3A_118 : vector<512x256xi32>
    %bitcast_convert_type3A_120 = tpu.bitcast %or3A_119 : vector<512x256xi32> -> vector<512x256xf32>
    %slice3A_121 = vector.extract_strided_slice %bitcast_convert_type3A {offsets = [0, 3072], sizes = [512, 256], strides = [1, 1]} : vector<512x4096xi32> to vector<512x256xi32>
    %and3A_122 = arith.constant -16 : i32
    %and3A_123 = vector.broadcast %and3A_122 : i32 to vector<512x256xi32>
    %and3A_124 = arith.andi %slice3A_121, %and3A_123 : vector<512x256xi32>
    %or3A_125 = arith.constant 12 : i32
    %or3A_126 = vector.broadcast %or3A_125 : i32 to vector<512x256xi32>
    %or3A_127 = arith.ori %and3A_124, %or3A_126 : vector<512x256xi32>
    %bitcast_convert_type3A_128 = tpu.bitcast %or3A_127 : vector<512x256xi32> -> vector<512x256xf32>
    %slice3A_129 = vector.extract_strided_slice %bitcast_convert_type3A {offsets = [0, 3328], sizes = [512, 256], strides = [1, 1]} : vector<512x4096xi32> to vector<512x256xi32>
    %and3A_130 = arith.constant -16 : i32
    %and3A_131 = vector.broadcast %and3A_130 : i32 to vector<512x256xi32>
    %and3A_132 = arith.andi %slice3A_129, %and3A_131 : vector<512x256xi32>
    %or3A_133 = arith.constant 13 : i32
    %or3A_134 = vector.broadcast %or3A_133 : i32 to vector<512x256xi32>
    %or3A_135 = arith.ori %and3A_132, %or3A_134 : vector<512x256xi32>
    %bitcast_convert_type3A_136 = tpu.bitcast %or3A_135 : vector<512x256xi32> -> vector<512x256xf32>
    %slice3A_137 = vector.extract_strided_slice %bitcast_convert_type3A {offsets = [0, 3584], sizes = [512, 256], strides = [1, 1]} : vector<512x4096xi32> to vector<512x256xi32>
    %and3A_138 = arith.constant -16 : i32
    %and3A_139 = vector.broadcast %and3A_138 : i32 to vector<512x256xi32>
    %and3A_140 = arith.andi %slice3A_137, %and3A_139 : vector<512x256xi32>
    %or3A_141 = arith.constant 14 : i32
    %or3A_142 = vector.broadcast %or3A_141 : i32 to vector<512x256xi32>
    %or3A_143 = arith.ori %and3A_140, %or3A_142 : vector<512x256xi32>
    %bitcast_convert_type3A_144 = tpu.bitcast %or3A_143 : vector<512x256xi32> -> vector<512x256xf32>
    %slice3A_145 = vector.extract_strided_slice %bitcast_convert_type3A {offsets = [0, 3840], sizes = [512, 256], strides = [1, 1]} : vector<512x4096xi32> to vector<512x256xi32>
    %and3A_146 = arith.constant -16 : i32
    %and3A_147 = vector.broadcast %and3A_146 : i32 to vector<512x256xi32>
    %and3A_148 = arith.andi %slice3A_145, %and3A_147 : vector<512x256xi32>
    %or3A_149 = arith.constant 15 : i32
    %or3A_150 = vector.broadcast %or3A_149 : i32 to vector<512x256xi32>
    %or3A_151 = arith.ori %and3A_148, %or3A_150 : vector<512x256xi32>
    %bitcast_convert_type3A_152 = tpu.bitcast %or3A_151 : vector<512x256xi32> -> vector<512x256xf32>
    %min3A = arith.minimumf %bitcast_convert_type3A_32, %bitcast_convert_type3A_40 : vector<512x256xf32>
    %min3A_153 = arith.minimumf %bitcast_convert_type3A_48, %bitcast_convert_type3A_56 : vector<512x256xf32>
    %min3A_154 = arith.minimumf %bitcast_convert_type3A_64, %bitcast_convert_type3A_72 : vector<512x256xf32>
    %min3A_155 = arith.minimumf %bitcast_convert_type3A_80, %bitcast_convert_type3A_88 : vector<512x256xf32>
    %min3A_156 = arith.minimumf %bitcast_convert_type3A_96, %bitcast_convert_type3A_104 : vector<512x256xf32>
    %min3A_157 = arith.minimumf %bitcast_convert_type3A_112, %bitcast_convert_type3A_120 : vector<512x256xf32>
    %min3A_158 = arith.minimumf %bitcast_convert_type3A_128, %bitcast_convert_type3A_136 : vector<512x256xf32>
    %min3A_159 = arith.minimumf %bitcast_convert_type3A_144, %bitcast_convert_type3A_152 : vector<512x256xf32>
    %max3A = arith.maximumf %bitcast_convert_type3A_32, %bitcast_convert_type3A_40 : vector<512x256xf32>
    %max3A_160 = arith.maximumf %bitcast_convert_type3A_48, %bitcast_convert_type3A_56 : vector<512x256xf32>
    %max3A_161 = arith.maximumf %bitcast_convert_type3A_64, %bitcast_convert_type3A_72 : vector<512x256xf32>
    %max3A_162 = arith.maximumf %bitcast_convert_type3A_80, %bitcast_convert_type3A_88 : vector<512x256xf32>
    %max3A_163 = arith.maximumf %bitcast_convert_type3A_96, %bitcast_convert_type3A_104 : vector<512x256xf32>
    %max3A_164 = arith.maximumf %bitcast_convert_type3A_112, %bitcast_convert_type3A_120 : vector<512x256xf32>
    %max3A_165 = arith.maximumf %bitcast_convert_type3A_128, %bitcast_convert_type3A_136 : vector<512x256xf32>
    %max3A_166 = arith.maximumf %bitcast_convert_type3A_144, %bitcast_convert_type3A_152 : vector<512x256xf32>
    %min3A_167 = arith.minimumf %min3A, %min3A_153 : vector<512x256xf32>
    %max3A_168 = arith.maximumf %max3A, %max3A_160 : vector<512x256xf32>
    %max3A_169 = arith.maximumf %min3A, %min3A_153 : vector<512x256xf32>
    %min3A_170 = arith.minimumf %max3A, %max3A_160 : vector<512x256xf32>
    %min3A_171 = arith.minimumf %max3A_169, %min3A_170 : vector<512x256xf32>
    %max3A_172 = arith.maximumf %max3A_169, %min3A_170 : vector<512x256xf32>
    %min3A_173 = arith.minimumf %min3A_154, %min3A_155 : vector<512x256xf32>
    %max3A_174 = arith.maximumf %max3A_161, %max3A_162 : vector<512x256xf32>
    %max3A_175 = arith.maximumf %min3A_154, %min3A_155 : vector<512x256xf32>
    %min3A_176 = arith.minimumf %max3A_161, %max3A_162 : vector<512x256xf32>
    %min3A_177 = arith.minimumf %max3A_175, %min3A_176 : vector<512x256xf32>
    %max3A_178 = arith.maximumf %max3A_175, %min3A_176 : vector<512x256xf32>
    %min3A_179 = arith.minimumf %min3A_156, %min3A_157 : vector<512x256xf32>
    %max3A_180 = arith.maximumf %max3A_163, %max3A_164 : vector<512x256xf32>
    %max3A_181 = arith.maximumf %min3A_156, %min3A_157 : vector<512x256xf32>
    %min3A_182 = arith.minimumf %max3A_163, %max3A_164 : vector<512x256xf32>
    %min3A_183 = arith.minimumf %max3A_181, %min3A_182 : vector<512x256xf32>
    %max3A_184 = arith.maximumf %max3A_181, %min3A_182 : vector<512x256xf32>
    %min3A_185 = arith.minimumf %min3A_158, %min3A_159 : vector<512x256xf32>
    %max3A_186 = arith.maximumf %max3A_165, %max3A_166 : vector<512x256xf32>
    %max3A_187 = arith.maximumf %min3A_158, %min3A_159 : vector<512x256xf32>
    %min3A_188 = arith.minimumf %max3A_165, %max3A_166 : vector<512x256xf32>
    %min3A_189 = arith.minimumf %max3A_187, %min3A_188 : vector<512x256xf32>
    %max3A_190 = arith.maximumf %max3A_187, %min3A_188 : vector<512x256xf32>
    %min3A_191 = arith.minimumf %min3A_167, %max3A_174 : vector<512x256xf32>
    %min3A_192 = arith.minimumf %min3A_171, %max3A_178 : vector<512x256xf32>
    %min3A_193 = arith.minimumf %max3A_172, %min3A_177 : vector<512x256xf32>
    %min3A_194 = arith.minimumf %max3A_168, %min3A_173 : vector<512x256xf32>
    %min3A_195 = arith.minimumf %min3A_191, %min3A_193 : vector<512x256xf32>
    %max3A_196 = arith.maximumf %min3A_191, %min3A_193 : vector<512x256xf32>
    %min3A_197 = arith.minimumf %min3A_192, %min3A_194 : vector<512x256xf32>
    %max3A_198 = arith.maximumf %min3A_192, %min3A_194 : vector<512x256xf32>
    %min3A_199 = arith.minimumf %min3A_195, %min3A_197 : vector<512x256xf32>
    %max3A_200 = arith.maximumf %min3A_195, %min3A_197 : vector<512x256xf32>
    %min3A_201 = arith.minimumf %max3A_196, %max3A_198 : vector<512x256xf32>
    %max3A_202 = arith.maximumf %max3A_196, %max3A_198 : vector<512x256xf32>
    %min3A_203 = arith.minimumf %min3A_179, %max3A_186 : vector<512x256xf32>
    %min3A_204 = arith.minimumf %min3A_183, %max3A_190 : vector<512x256xf32>
    %min3A_205 = arith.minimumf %max3A_184, %min3A_189 : vector<512x256xf32>
    %min3A_206 = arith.minimumf %max3A_180, %min3A_185 : vector<512x256xf32>
    %min3A_207 = arith.minimumf %min3A_203, %min3A_205 : vector<512x256xf32>
    %max3A_208 = arith.maximumf %min3A_203, %min3A_205 : vector<512x256xf32>
    %min3A_209 = arith.minimumf %min3A_204, %min3A_206 : vector<512x256xf32>
    %max3A_210 = arith.maximumf %min3A_204, %min3A_206 : vector<512x256xf32>
    %min3A_211 = arith.minimumf %min3A_207, %min3A_209 : vector<512x256xf32>
    %max3A_212 = arith.maximumf %min3A_207, %min3A_209 : vector<512x256xf32>
    %min3A_213 = arith.minimumf %max3A_208, %max3A_210 : vector<512x256xf32>
    %max3A_214 = arith.maximumf %max3A_208, %max3A_210 : vector<512x256xf32>
    %min3A_215 = arith.minimumf %min3A_199, %max3A_214 : vector<512x256xf32>
    %min3A_216 = arith.minimumf %max3A_200, %min3A_213 : vector<512x256xf32>
    %min3A_217 = arith.minimumf %min3A_201, %max3A_212 : vector<512x256xf32>
    %min3A_218 = arith.minimumf %max3A_202, %min3A_211 : vector<512x256xf32>
    %min3A_219 = arith.minimumf %min3A_215, %min3A_217 : vector<512x256xf32>
    %max3A_220 = arith.maximumf %min3A_215, %min3A_217 : vector<512x256xf32>
    %min3A_221 = arith.minimumf %min3A_216, %min3A_218 : vector<512x256xf32>
    %max3A_222 = arith.maximumf %min3A_216, %min3A_218 : vector<512x256xf32>
    %min3A_223 = arith.minimumf %min3A_219, %min3A_221 : vector<512x256xf32>
    %max3A_224 = arith.maximumf %min3A_219, %min3A_221 : vector<512x256xf32>
    %min3A_225 = arith.minimumf %max3A_220, %max3A_222 : vector<512x256xf32>
    %max3A_226 = arith.maximumf %max3A_220, %max3A_222 : vector<512x256xf32>
    %swap3A = arith.constant 0 : index
    %swap3A_227 = arith.constant 0 : index
    %swap3A_228 = vector.load %arg5[%swap3A, %swap3A_227] : memref<512x256xf32, #tpu.memory_space<vmem>>, vector<512x256xf32>
    tpu.vector_store %arg5[%swap3A, %swap3A_227], %min3A_223 {strides = array<i32>} : memref<512x256xf32, #tpu.memory_space<vmem>>, vector<512x256xf32>,
    %swap3A_229 = arith.constant 0 : index
    %swap3A_230 = arith.constant 0 : index
    %swap3A_231 = vector.load %arg6[%swap3A_229, %swap3A_230] : memref<512x256xf32, #tpu.memory_space<vmem>>, vector<512x256xf32>
    tpu.vector_store %arg6[%swap3A_229, %swap3A_230], %max3A_224 {strides = array<i32>} : memref<512x256xf32, #tpu.memory_space<vmem>>, vector<512x256xf32>,
    %swap3A_232 = arith.constant 0 : index
    %swap3A_233 = arith.constant 0 : index
    %swap3A_234 = vector.load %arg7[%swap3A_232, %swap3A_233] : memref<512x256xf32, #tpu.memory_space<vmem>>, vector<512x256xf32>
    tpu.vector_store %arg7[%swap3A_232, %swap3A_233], %min3A_225 {strides = array<i32>} : memref<512x256xf32, #tpu.memory_space<vmem>>, vector<512x256xf32>,
    %swap3A_235 = arith.constant 0 : index
    %swap3A_236 = arith.constant 0 : index
    %swap3A_237 = vector.load %arg8[%swap3A_235, %swap3A_236] : memref<512x256xf32, #tpu.memory_space<vmem>>, vector<512x256xf32>
    tpu.vector_store %arg8[%swap3A_235, %swap3A_236], %max3A_226 {strides = array<i32>} : memref<512x256xf32, #tpu.memory_space<vmem>>, vector<512x256xf32>,
    %iota3A = tpu.iota {dimensions = array<i32: 1>} : vector<512x256xi32>
    %convert_element_type3A_238 = arith.sitofp %iota3A : vector<512x256xi32> to vector<512x256xf32>
    %get3A_239 = arith.constant 0 : index
    %get3A_240 = arith.constant 0 : index
    %get3A_241 = vector.load %arg5[%get3A_239, %get3A_240] : memref<512x256xf32, #tpu.memory_space<vmem>>, vector<512x256xf32>
    %reduce_min3A = arith.constant dense<0x7F800000> : vector<512xf32>
    %reduce_min3A_242 = vector.multi_reduction <minimumf>, %get3A_241, %reduce_min3A [1] : vector<512x256xf32> to vector<512xf32>
    %broadcast_in_dim3A_243 = vector.shape_cast %reduce_min3A_242 : vector<512xf32> to vector<512x1xf32>
    %eq3A_244 = vector.broadcast %broadcast_in_dim3A_243 : vector<512x1xf32> to vector<512x256xf32>
    %eq3A_245 = arith.cmpf oeq, %get3A_241, %eq3A_244 : vector<512x256xf32>
    %jit3A_246 = arith.constant 0x7F800000 : f32
    %broadcast_in_dim3A_247 = vector.broadcast %jit3A_246 : f32 to vector<512x256xf32>
    %select_n3A_248 = arith.select %eq3A_245, %convert_element_type3A_238, %broadcast_in_dim3A_247 : vector<512x256xi1>, vector<512x256xf32>
    %reduce_min3A_249 = arith.constant dense<0x7F800000> : vector<512xf32>
    %reduce_min3A_250 = vector.multi_reduction <minimumf>, %select_n3A_248, %reduce_min3A_249 [1] : vector<512x256xf32> to vector<512xf32>
    %broadcast_in_dim3A_251 = vector.shape_cast %reduce_min3A_250 : vector<512xf32> to vector<512x1xf32>
    %eq3A_252 = vector.broadcast %broadcast_in_dim3A_251 : vector<512x1xf32> to vector<512x256xf32>
    %eq3A_253 = arith.cmpf oeq, %convert_element_type3A_238, %eq3A_252 : vector<512x256xf32>
    %get3A_254 = arith.constant 0 : index
    %get3A_255 = arith.constant 0 : index
    %get3A_256 = vector.load %arg6[%get3A_254, %get3A_255] : memref<512x256xf32, #tpu.memory_space<vmem>>, vector<512x256xf32>
    %get3A_257 = arith.constant 0 : index
    %get3A_258 = arith.constant 0 : index
    %get3A_259 = vector.load %arg7[%get3A_257, %get3A_258] : memref<512x256xf32, #tpu.memory_space<vmem>>, vector<512x256xf32>
    %get3A_260 = arith.constant 0 : index
    %get3A_261 = arith.constant 0 : index
    %get3A_262 = vector.load %arg8[%get3A_260, %get3A_261] : memref<512x256xf32, #tpu.memory_space<vmem>>, vector<512x256xf32>
    %select_n3A_263 = arith.select %eq3A_253, %get3A_256, %get3A_241 : vector<512x256xi1>, vector<512x256xf32>
    %swap3A_264 = arith.constant 0 : index
    %swap3A_265 = arith.constant 0 : index
    %swap3A_266 = vector.load %arg5[%swap3A_264, %swap3A_265] : memref<512x256xf32, #tpu.memory_space<vmem>>, vector<512x256xf32>
    tpu.vector_store %arg5[%swap3A_264, %swap3A_265], %select_n3A_263 {strides = array<i32>} : memref<512x256xf32, #tpu.memory_space<vmem>>, vector<512x256xf32>,
    %select_n3A_267 = arith.select %eq3A_253, %get3A_259, %get3A_256 : vector<512x256xi1>, vector<512x256xf32>
    %swap3A_268 = arith.constant 0 : index
    %swap3A_269 = arith.constant 0 : index
    %swap3A_270 = vector.load %arg6[%swap3A_268, %swap3A_269] : memref<512x256xf32, #tpu.memory_space<vmem>>, vector<512x256xf32>
    tpu.vector_store %arg6[%swap3A_268, %swap3A_269], %select_n3A_267 {strides = array<i32>} : memref<512x256xf32, #tpu.memory_space<vmem>>, vector<512x256xf32>,
    %select_n3A_271 = arith.select %eq3A_253, %get3A_262, %get3A_259 : vector<512x256xi1>, vector<512x256xf32>
    %swap3A_272 = arith.constant 0 : index
    %swap3A_273 = arith.constant 0 : index
    %swap3A_274 = vector.load %arg7[%swap3A_272, %swap3A_273] : memref<512x256xf32, #tpu.memory_space<vmem>>, vector<512x256xf32>
    tpu.vector_store %arg7[%swap3A_272, %swap3A_273], %select_n3A_271 {strides = array<i32>} : memref<512x256xf32, #tpu.memory_space<vmem>>, vector<512x256xf32>,
    %jit3A_275 = arith.constant 0x7F800000 : f32
    %broadcast_in_dim3A_276 = vector.broadcast %jit3A_275 : f32 to vector<512x256xf32>
    %select_n3A_277 = arith.select %eq3A_253, %broadcast_in_dim3A_276, %get3A_262 : vector<512x256xi1>, vector<512x256xf32>
    %swap3A_278 = arith.constant 0 : index
    %swap3A_279 = arith.constant 0 : index
    %swap3A_280 = vector.load %arg8[%swap3A_278, %swap3A_279] : memref<512x256xf32, #tpu.memory_space<vmem>>, vector<512x256xf32>
    tpu.vector_store %arg8[%swap3A_278, %swap3A_279], %select_n3A_277 {strides = array<i32>} : memref<512x256xf32, #tpu.memory_space<vmem>>, vector<512x256xf32>,
    %get3A_281 = arith.constant 0 : index
    %get3A_282 = arith.constant 0 : index
    %get3A_283 = vector.load %arg5[%get3A_281, %get3A_282] : memref<512x256xf32, #tpu.memory_space<vmem>>, vector<512x256xf32>
    %reduce_min3A_284 = arith.constant dense<0x7F800000> : vector<512xf32>
    %reduce_min3A_285 = vector.multi_reduction <minimumf>, %get3A_283, %reduce_min3A_284 [1] : vector<512x256xf32> to vector<512xf32>
    %broadcast_in_dim3A_286 = vector.shape_cast %reduce_min3A_285 : vector<512xf32> to vector<512x1xf32>
    %eq3A_287 = vector.broadcast %broadcast_in_dim3A_286 : vector<512x1xf32> to vector<512x256xf32>
    %eq3A_288 = arith.cmpf oeq, %get3A_283, %eq3A_287 : vector<512x256xf32>
    %jit3A_289 = arith.constant 0x7F800000 : f32
    %broadcast_in_dim3A_290 = vector.broadcast %jit3A_289 : f32 to vector<512x256xf32>
    %select_n3A_291 = arith.select %eq3A_288, %convert_element_type3A_238, %broadcast_in_dim3A_290 : vector<512x256xi1>, vector<512x256xf32>
    %reduce_min3A_292 = arith.constant dense<0x7F800000> : vector<512xf32>
    %reduce_min3A_293 = vector.multi_reduction <minimumf>, %select_n3A_291, %reduce_min3A_292 [1] : vector<512x256xf32> to vector<512xf32>
    %broadcast_in_dim3A_294 = vector.shape_cast %reduce_min3A_293 : vector<512xf32> to vector<512x1xf32>
    %bitcast_convert_type3A_295 = tpu.bitcast %broadcast_in_dim3A_286 : vector<512x1xf32> -> vector<512x1xi32>
    %and3A_296 = arith.constant 15 : i32
    %and3A_297 = vector.broadcast %and3A_296 : i32 to vector<512x1xi32>
    %and3A_298 = arith.andi %bitcast_convert_type3A_295, %and3A_297 : vector<512x1xi32>
    %mul3A_299 = arith.constant 256 : i32
    %mul3A_300 = vector.broadcast %mul3A_299 : i32 to vector<512x1xi32>
    %mul3A_301 = arith.muli %and3A_298, %mul3A_300 : vector<512x1xi32>
    %convert_element_type3A_302 = arith.fptosi %broadcast_in_dim3A_294 : vector<512x1xf32> to vector<512x1xi32>
    %add3A_303 = arith.addi %mul3A_301, %convert_element_type3A_302 : vector<512x1xi32>
    %swap3A_304 = arith.constant 0 : index
    %swap3A_305 = arith.constant 0 : index
    %swap3A_306 = vector.load %arg3[%swap3A_304, %swap3A_305] : memref<512x16xi32, #tpu.memory_space<vmem>>, vector<512x1xi32>
    tpu.vector_store %arg3[%swap3A_304, %swap3A_305], %add3A_303 {strides = array<i32>} : memref<512x16xi32, #tpu.memory_space<vmem>>, vector<512x1xi32>,
    %eq3A_307 = vector.broadcast %broadcast_in_dim3A_294 : vector<512x1xf32> to vector<512x256xf32>
    %eq3A_308 = arith.cmpf oeq, %convert_element_type3A_238, %eq3A_307 : vector<512x256xf32>
    %get3A_309 = arith.constant 0 : index
    %get3A_310 = arith.constant 0 : index
    %get3A_311 = vector.load %arg6[%get3A_309, %get3A_310] : memref<512x256xf32, #tpu.memory_space<vmem>>, vector<512x256xf32>
    %get3A_312 = arith.constant 0 : index
    %get3A_313 = arith.constant 0 : index
    %get3A_314 = vector.load %arg7[%get3A_312, %get3A_313] : memref<512x256xf32, #tpu.memory_space<vmem>>, vector<512x256xf32>
    %get3A_315 = arith.constant 0 : index
    %get3A_316 = arith.constant 0 : index
    %get3A_317 = vector.load %arg8[%get3A_315, %get3A_316] : memref<512x256xf32, #tpu.memory_space<vmem>>, vector<512x256xf32>
    %select_n3A_318 = arith.select %eq3A_308, %get3A_311, %get3A_283 : vector<512x256xi1>, vector<512x256xf32>
    %swap3A_319 = arith.constant 0 : index
    %swap3A_320 = arith.constant 0 : index
    %swap3A_321 = vector.load %arg5[%swap3A_319, %swap3A_320] : memref<512x256xf32, #tpu.memory_space<vmem>>, vector<512x256xf32>
    tpu.vector_store %arg5[%swap3A_319, %swap3A_320], %select_n3A_318 {strides = array<i32>} : memref<512x256xf32, #tpu.memory_space<vmem>>, vector<512x256xf32>,
    %select_n3A_322 = arith.select %eq3A_308, %get3A_314, %get3A_311 : vector<512x256xi1>, vector<512x256xf32>
    %swap3A_323 = arith.constant 0 : index
    %swap3A_324 = arith.constant 0 : index
    %swap3A_325 = vector.load %arg6[%swap3A_323, %swap3A_324] : memref<512x256xf32, #tpu.memory_space<vmem>>, vector<512x256xf32>
    tpu.vector_store %arg6[%swap3A_323, %swap3A_324], %select_n3A_322 {strides = array<i32>} : memref<512x256xf32, #tpu.memory_space<vmem>>, vector<512x256xf32>,
    %select_n3A_326 = arith.select %eq3A_308, %get3A_317, %get3A_314 : vector<512x256xi1>, vector<512x256xf32>
    %swap3A_327 = arith.constant 0 : index
    %swap3A_328 = arith.constant 0 : index
    %swap3A_329 = vector.load %arg7[%swap3A_327, %swap3A_328] : memref<512x256xf32, #tpu.memory_space<vmem>>, vector<512x256xf32>
    tpu.vector_store %arg7[%swap3A_327, %swap3A_328], %select_n3A_326 {strides = array<i32>} : memref<512x256xf32, #tpu.memory_space<vmem>>, vector<512x256xf32>,
    %jit3A_330 = arith.constant 0x7F800000 : f32
    %broadcast_in_dim3A_331 = vector.broadcast %jit3A_330 : f32 to vector<512x256xf32>
    %select_n3A_332 = arith.select %eq3A_308, %broadcast_in_dim3A_331, %get3A_317 : vector<512x256xi1>, vector<512x256xf32>
    %swap3A_333 = arith.constant 0 : index
    %swap3A_334 = arith.constant 0 : index
    %swap3A_335 = vector.load %arg8[%swap3A_333, %swap3A_334] : memref<512x256xf32, #tpu.memory_space<vmem>>, vector<512x256xf32>
    tpu.vector_store %arg8[%swap3A_333, %swap3A_334], %select_n3A_332 {strides = array<i32>} : memref<512x256xf32, #tpu.memory_space<vmem>>, vector<512x256xf32>,
    %get3A_336 = arith.constant 0 : index
    %get3A_337 = arith.constant 0 : index
    %get3A_338 = vector.load %arg5[%get3A_336, %get3A_337] : memref<512x256xf32, #tpu.memory_space<vmem>>, vector<512x256xf32>
    %reduce_min3A_339 = arith.constant dense<0x7F800000> : vector<512xf32>
    %reduce_min3A_340 = vector.multi_reduction <minimumf>, %get3A_338, %reduce_min3A_339 [1] : vector<512x256xf32> to vector<512xf32>
    %broadcast_in_dim3A_341 = vector.shape_cast %reduce_min3A_340 : vector<512xf32> to vector<512x1xf32>
    %eq3A_342 = vector.broadcast %broadcast_in_dim3A_341 : vector<512x1xf32> to vector<512x256xf32>
    %eq3A_343 = arith.cmpf oeq, %get3A_338, %eq3A_342 : vector<512x256xf32>
    %jit3A_344 = arith.constant 0x7F800000 : f32
    %broadcast_in_dim3A_345 = vector.broadcast %jit3A_344 : f32 to vector<512x256xf32>
    %select_n3A_346 = arith.select %eq3A_343, %convert_element_type3A_238, %broadcast_in_dim3A_345 : vector<512x256xi1>, vector<512x256xf32>
    %reduce_min3A_347 = arith.constant dense<0x7F800000> : vector<512xf32>
    %reduce_min3A_348 = vector.multi_reduction <minimumf>, %select_n3A_346, %reduce_min3A_347 [1] : vector<512x256xf32> to vector<512xf32>
    %broadcast_in_dim3A_349 = vector.shape_cast %reduce_min3A_348 : vector<512xf32> to vector<512x1xf32>
    %bitcast_convert_type3A_350 = tpu.bitcast %broadcast_in_dim3A_341 : vector<512x1xf32> -> vector<512x1xi32>
    %and3A_351 = arith.constant 15 : i32
    %and3A_352 = vector.broadcast %and3A_351 : i32 to vector<512x1xi32>
    %and3A_353 = arith.andi %bitcast_convert_type3A_350, %and3A_352 : vector<512x1xi32>
    %mul3A_354 = arith.constant 256 : i32
    %mul3A_355 = vector.broadcast %mul3A_354 : i32 to vector<512x1xi32>
    %mul3A_356 = arith.muli %and3A_353, %mul3A_355 : vector<512x1xi32>
    %convert_element_type3A_357 = arith.fptosi %broadcast_in_dim3A_349 : vector<512x1xf32> to vector<512x1xi32>
    %add3A_358 = arith.addi %mul3A_356, %convert_element_type3A_357 : vector<512x1xi32>
    %swap3A_359 = arith.constant 0 : index
    %swap3A_360 = arith.constant 1 : index
    %swap3A_361 = vector.load %arg3[%swap3A_359, %swap3A_360] : memref<512x16xi32, #tpu.memory_space<vmem>>, vector<512x1xi32>
    tpu.vector_store %arg3[%swap3A_359, %swap3A_360], %add3A_358 {strides = array<i32>} : memref<512x16xi32, #tpu.memory_space<vmem>>, vector<512x1xi32>,
    %eq3A_362 = vector.broadcast %broadcast_in_dim3A_349 : vector<512x1xf32> to vector<512x256xf32>
    %eq3A_363 = arith.cmpf oeq, %convert_element_type3A_238, %eq3A_362 : vector<512x256xf32>
    %get3A_364 = arith.constant 0 : index
    %get3A_365 = arith.constant 0 : index
    %get3A_366 = vector.load %arg6[%get3A_364, %get3A_365] : memref<512x256xf32, #tpu.memory_space<vmem>>, vector<512x256xf32>
    %get3A_367 = arith.constant 0 : index
    %get3A_368 = arith.constant 0 : index
    %get3A_369 = vector.load %arg7[%get3A_367, %get3A_368] : memref<512x256xf32, #tpu.memory_space<vmem>>, vector<512x256xf32>
    %get3A_370 = arith.constant 0 : index
    %get3A_371 = arith.constant 0 : index
    %get3A_372 = vector.load %arg8[%get3A_370, %get3A_371] : memref<512x256xf32, #tpu.memory_space<vmem>>, vector<512x256xf32>
    %select_n3A_373 = arith.select %eq3A_363, %get3A_366, %get3A_338 : vector<512x256xi1>, vector<512x256xf32>
    %swap3A_374 = arith.constant 0 : index
    %swap3A_375 = arith.constant 0 : index
    %swap3A_376 = vector.load %arg5[%swap3A_374, %swap3A_375] : memref<512x256xf32, #tpu.memory_space<vmem>>, vector<512x256xf32>
    tpu.vector_store %arg5[%swap3A_374, %swap3A_375], %select_n3A_373 {strides = array<i32>} : memref<512x256xf32, #tpu.memory_space<vmem>>, vector<512x256xf32>,
    %select_n3A_377 = arith.select %eq3A_363, %get3A_369, %get3A_366 : vector<512x256xi1>, vector<512x256xf32>
    %swap3A_378 = arith.constant 0 : index
    %swap3A_379 = arith.constant 0 : index
    %swap3A_380 = vector.load %arg6[%swap3A_378, %swap3A_379] : memref<512x256xf32, #tpu.memory_space<vmem>>, vector<512x256xf32>
    tpu.vector_store %arg6[%swap3A_378, %swap3A_379], %select_n3A_377 {strides = array<i32>} : memref<512x256xf32, #tpu.memory_space<vmem>>, vector<512x256xf32>,
    %select_n3A_381 = arith.select %eq3A_363, %get3A_372, %get3A_369 : vector<512x256xi1>, vector<512x256xf32>
    %swap3A_382 = arith.constant 0 : index
    %swap3A_383 = arith.constant 0 : index
    %swap3A_384 = vector.load %arg7[%swap3A_382, %swap3A_383] : memref<512x256xf32, #tpu.memory_space<vmem>>, vector<512x256xf32>
    tpu.vector_store %arg7[%swap3A_382, %swap3A_383], %select_n3A_381 {strides = array<i32>} : memref<512x256xf32, #tpu.memory_space<vmem>>, vector<512x256xf32>,
    %jit3A_385 = arith.constant 0x7F800000 : f32
    %broadcast_in_dim3A_386 = vector.broadcast %jit3A_385 : f32 to vector<512x256xf32>
    %select_n3A_387 = arith.select %eq3A_363, %broadcast_in_dim3A_386, %get3A_372 : vector<512x256xi1>, vector<512x256xf32>
    %swap3A_388 = arith.constant 0 : index
    %swap3A_389 = arith.constant 0 : index
    %swap3A_390 = vector.load %arg8[%swap3A_388, %swap3A_389] : memref<512x256xf32, #tpu.memory_space<vmem>>, vector<512x256xf32>
    tpu.vector_store %arg8[%swap3A_388, %swap3A_389], %select_n3A_387 {strides = array<i32>} : memref<512x256xf32, #tpu.memory_space<vmem>>, vector<512x256xf32>,
    %get3A_391 = arith.constant 0 : index
    %get3A_392 = arith.constant 0 : index
    %get3A_393 = vector.load %arg5[%get3A_391, %get3A_392] : memref<512x256xf32, #tpu.memory_space<vmem>>, vector<512x256xf32>
    %reduce_min3A_394 = arith.constant dense<0x7F800000> : vector<512xf32>
    %reduce_min3A_395 = vector.multi_reduction <minimumf>, %get3A_393, %reduce_min3A_394 [1] : vector<512x256xf32> to vector<512xf32>
    %broadcast_in_dim3A_396 = vector.shape_cast %reduce_min3A_395 : vector<512xf32> to vector<512x1xf32>
    %eq3A_397 = vector.broadcast %broadcast_in_dim3A_396 : vector<512x1xf32> to vector<512x256xf32>
    %eq3A_398 = arith.cmpf oeq, %get3A_393, %eq3A_397 : vector<512x256xf32>
    %jit3A_399 = arith.constant 0x7F800000 : f32
    %broadcast_in_dim3A_400 = vector.broadcast %jit3A_399 : f32 to vector<512x256xf32>
    %select_n3A_401 = arith.select %eq3A_398, %convert_element_type3A_238, %broadcast_in_dim3A_400 : vector<512x256xi1>, vector<512x256xf32>
    %reduce_min3A_402 = arith.constant dense<0x7F800000> : vector<512xf32>
    %reduce_min3A_403 = vector.multi_reduction <minimumf>, %select_n3A_401, %reduce_min3A_402 [1] : vector<512x256xf32> to vector<512xf32>
    %broadcast_in_dim3A_404 = vector.shape_cast %reduce_min3A_403 : vector<512xf32> to vector<512x1xf32>
    %bitcast_convert_type3A_405 = tpu.bitcast %broadcast_in_dim3A_396 : vector<512x1xf32> -> vector<512x1xi32>
    %and3A_406 = arith.constant 15 : i32
    %and3A_407 = vector.broadcast %and3A_406 : i32 to vector<512x1xi32>
    %and3A_408 = arith.andi %bitcast_convert_type3A_405, %and3A_407 : vector<512x1xi32>
    %mul3A_409 = arith.constant 256 : i32
    %mul3A_410 = vector.broadcast %mul3A_409 : i32 to vector<512x1xi32>
    %mul3A_411 = arith.muli %and3A_408, %mul3A_410 : vector<512x1xi32>
    %convert_element_type3A_412 = arith.fptosi %broadcast_in_dim3A_404 : vector<512x1xf32> to vector<512x1xi32>
    %add3A_413 = arith.addi %mul3A_411, %convert_element_type3A_412 : vector<512x1xi32>
    %swap3A_414 = arith.constant 0 : index
    %swap3A_415 = arith.constant 2 : index
    %swap3A_416 = vector.load %arg3[%swap3A_414, %swap3A_415] : memref<512x16xi32, #tpu.memory_space<vmem>>, vector<512x1xi32>
    tpu.vector_store %arg3[%swap3A_414, %swap3A_415], %add3A_413 {strides = array<i32>} : memref<512x16xi32, #tpu.memory_space<vmem>>, vector<512x1xi32>,
    %eq3A_417 = vector.broadcast %broadcast_in_dim3A_404 : vector<512x1xf32> to vector<512x256xf32>
    %eq3A_418 = arith.cmpf oeq, %convert_element_type3A_238, %eq3A_417 : vector<512x256xf32>
    %get3A_419 = arith.constant 0 : index
    %get3A_420 = arith.constant 0 : index
    %get3A_421 = vector.load %arg6[%get3A_419, %get3A_420] : memref<512x256xf32, #tpu.memory_space<vmem>>, vector<512x256xf32>
    %get3A_422 = arith.constant 0 : index
    %get3A_423 = arith.constant 0 : index
    %get3A_424 = vector.load %arg7[%get3A_422, %get3A_423] : memref<512x256xf32, #tpu.memory_space<vmem>>, vector<512x256xf32>
    %get3A_425 = arith.constant 0 : index
    %get3A_426 = arith.constant 0 : index
    %get3A_427 = vector.load %arg8[%get3A_425, %get3A_426] : memref<512x256xf32, #tpu.memory_space<vmem>>, vector<512x256xf32>
    %select_n3A_428 = arith.select %eq3A_418, %get3A_421, %get3A_393 : vector<512x256xi1>, vector<512x256xf32>
    %swap3A_429 = arith.constant 0 : index
    %swap3A_430 = arith.constant 0 : index
    %swap3A_431 = vector.load %arg5[%swap3A_429, %swap3A_430] : memref<512x256xf32, #tpu.memory_space<vmem>>, vector<512x256xf32>
    tpu.vector_store %arg5[%swap3A_429, %swap3A_430], %select_n3A_428 {strides = array<i32>} : memref<512x256xf32, #tpu.memory_space<vmem>>, vector<512x256xf32>,
    %select_n3A_432 = arith.select %eq3A_418, %get3A_424, %get3A_421 : vector<512x256xi1>, vector<512x256xf32>
    %swap3A_433 = arith.constant 0 : index
    %swap3A_434 = arith.constant 0 : index
    %swap3A_435 = vector.load %arg6[%swap3A_433, %swap3A_434] : memref<512x256xf32, #tpu.memory_space<vmem>>, vector<512x256xf32>
    tpu.vector_store %arg6[%swap3A_433, %swap3A_434], %select_n3A_432 {strides = array<i32>} : memref<512x256xf32, #tpu.memory_space<vmem>>, vector<512x256xf32>,
    %select_n3A_436 = arith.select %eq3A_418, %get3A_427, %get3A_424 : vector<512x256xi1>, vector<512x256xf32>
    %swap3A_437 = arith.constant 0 : index
    %swap3A_438 = arith.constant 0 : index
    %swap3A_439 = vector.load %arg7[%swap3A_437, %swap3A_438] : memref<512x256xf32, #tpu.memory_space<vmem>>, vector<512x256xf32>
    tpu.vector_store %arg7[%swap3A_437, %swap3A_438], %select_n3A_436 {strides = array<i32>} : memref<512x256xf32, #tpu.memory_space<vmem>>, vector<512x256xf32>,
    %jit3A_440 = arith.constant 0x7F800000 : f32
    %broadcast_in_dim3A_441 = vector.broadcast %jit3A_440 : f32 to vector<512x256xf32>
    %select_n3A_442 = arith.select %eq3A_418, %broadcast_in_dim3A_441, %get3A_427 : vector<512x256xi1>, vector<512x256xf32>
    %swap3A_443 = arith.constant 0 : index
    %swap3A_444 = arith.constant 0 : index
    %swap3A_445 = vector.load %arg8[%swap3A_443, %swap3A_444] : memref<512x256xf32, #tpu.memory_space<vmem>>, vector<512x256xf32>
    tpu.vector_store %arg8[%swap3A_443, %swap3A_444], %select_n3A_442 {strides = array<i32>} : memref<512x256xf32, #tpu.memory_space<vmem>>, vector<512x256xf32>,
    %get3A_446 = arith.constant 0 : index
    %get3A_447 = arith.constant 0 : index
    %get3A_448 = vector.load %arg5[%get3A_446, %get3A_447] : memref<512x256xf32, #tpu.memory_space<vmem>>, vector<512x256xf32>
    %reduce_min3A_449 = arith.constant dense<0x7F800000> : vector<512xf32>
    %reduce_min3A_450 = vector.multi_reduction <minimumf>, %get3A_448, %reduce_min3A_449 [1] : vector<512x256xf32> to vector<512xf32>
    %broadcast_in_dim3A_451 = vector.shape_cast %reduce_min3A_450 : vector<512xf32> to vector<512x1xf32>
    %eq3A_452 = vector.broadcast %broadcast_in_dim3A_451 : vector<512x1xf32> to vector<512x256xf32>
    %eq3A_453 = arith.cmpf oeq, %get3A_448, %eq3A_452 : vector<512x256xf32>
    %jit3A_454 = arith.constant 0x7F800000 : f32
    %broadcast_in_dim3A_455 = vector.broadcast %jit3A_454 : f32 to vector<512x256xf32>
    %select_n3A_456 = arith.select %eq3A_453, %convert_element_type3A_238, %broadcast_in_dim3A_455 : vector<512x256xi1>, vector<512x256xf32>
    %reduce_min3A_457 = arith.constant dense<0x7F800000> : vector<512xf32>
    %reduce_min3A_458 = vector.multi_reduction <minimumf>, %select_n3A_456, %reduce_min3A_457 [1] : vector<512x256xf32> to vector<512xf32>
    %broadcast_in_dim3A_459 = vector.shape_cast %reduce_min3A_458 : vector<512xf32> to vector<512x1xf32>
    %bitcast_convert_type3A_460 = tpu.bitcast %broadcast_in_dim3A_451 : vector<512x1xf32> -> vector<512x1xi32>
    %and3A_461 = arith.constant 15 : i32
    %and3A_462 = vector.broadcast %and3A_461 : i32 to vector<512x1xi32>
    %and3A_463 = arith.andi %bitcast_convert_type3A_460, %and3A_462 : vector<512x1xi32>
    %mul3A_464 = arith.constant 256 : i32
    %mul3A_465 = vector.broadcast %mul3A_464 : i32 to vector<512x1xi32>
    %mul3A_466 = arith.muli %and3A_463, %mul3A_465 : vector<512x1xi32>
    %convert_element_type3A_467 = arith.fptosi %broadcast_in_dim3A_459 : vector<512x1xf32> to vector<512x1xi32>
    %add3A_468 = arith.addi %mul3A_466, %convert_element_type3A_467 : vector<512x1xi32>
    %swap3A_469 = arith.constant 0 : index
    %swap3A_470 = arith.constant 3 : index
    %swap3A_471 = vector.load %arg3[%swap3A_469, %swap3A_470] : memref<512x16xi32, #tpu.memory_space<vmem>>, vector<512x1xi32>
    tpu.vector_store %arg3[%swap3A_469, %swap3A_470], %add3A_468 {strides = array<i32>} : memref<512x16xi32, #tpu.memory_space<vmem>>, vector<512x1xi32>,
    %eq3A_472 = vector.broadcast %broadcast_in_dim3A_459 : vector<512x1xf32> to vector<512x256xf32>
    %eq3A_473 = arith.cmpf oeq, %convert_element_type3A_238, %eq3A_472 : vector<512x256xf32>
    %get3A_474 = arith.constant 0 : index
    %get3A_475 = arith.constant 0 : index
    %get3A_476 = vector.load %arg6[%get3A_474, %get3A_475] : memref<512x256xf32, #tpu.memory_space<vmem>>, vector<512x256xf32>
    %get3A_477 = arith.constant 0 : index
    %get3A_478 = arith.constant 0 : index
    %get3A_479 = vector.load %arg7[%get3A_477, %get3A_478] : memref<512x256xf32, #tpu.memory_space<vmem>>, vector<512x256xf32>
    %get3A_480 = arith.constant 0 : index
    %get3A_481 = arith.constant 0 : index
    %get3A_482 = vector.load %arg8[%get3A_480, %get3A_481] : memref<512x256xf32, #tpu.memory_space<vmem>>, vector<512x256xf32>
    %select_n3A_483 = arith.select %eq3A_473, %get3A_476, %get3A_448 : vector<512x256xi1>, vector<512x256xf32>
    %swap3A_484 = arith.constant 0 : index
    %swap3A_485 = arith.constant 0 : index
    %swap3A_486 = vector.load %arg5[%swap3A_484, %swap3A_485] : memref<512x256xf32, #tpu.memory_space<vmem>>, vector<512x256xf32>
    tpu.vector_store %arg5[%swap3A_484, %swap3A_485], %select_n3A_483 {strides = array<i32>} : memref<512x256xf32, #tpu.memory_space<vmem>>, vector<512x256xf32>,
    %select_n3A_487 = arith.select %eq3A_473, %get3A_479, %get3A_476 : vector<512x256xi1>, vector<512x256xf32>
    %swap3A_488 = arith.constant 0 : index
    %swap3A_489 = arith.constant 0 : index
    %swap3A_490 = vector.load %arg6[%swap3A_488, %swap3A_489] : memref<512x256xf32, #tpu.memory_space<vmem>>, vector<512x256xf32>
    tpu.vector_store %arg6[%swap3A_488, %swap3A_489], %select_n3A_487 {strides = array<i32>} : memref<512x256xf32, #tpu.memory_space<vmem>>, vector<512x256xf32>,
    %select_n3A_491 = arith.select %eq3A_473, %get3A_482, %get3A_479 : vector<512x256xi1>, vector<512x256xf32>
    %swap3A_492 = arith.constant 0 : index
    %swap3A_493 = arith.constant 0 : index
    %swap3A_494 = vector.load %arg7[%swap3A_492, %swap3A_493] : memref<512x256xf32, #tpu.memory_space<vmem>>, vector<512x256xf32>
    tpu.vector_store %arg7[%swap3A_492, %swap3A_493], %select_n3A_491 {strides = array<i32>} : memref<512x256xf32, #tpu.memory_space<vmem>>, vector<512x256xf32>,
    %jit3A_495 = arith.constant 0x7F800000 : f32
    %broadcast_in_dim3A_496 = vector.broadcast %jit3A_495 : f32 to vector<512x256xf32>
    %select_n3A_497 = arith.select %eq3A_473, %broadcast_in_dim3A_496, %get3A_482 : vector<512x256xi1>, vector<512x256xf32>
    %swap3A_498 = arith.constant 0 : index
    %swap3A_499 = arith.constant 0 : index
    %swap3A_500 = vector.load %arg8[%swap3A_498, %swap3A_499] : memref<512x256xf32, #tpu.memory_space<vmem>>, vector<512x256xf32>
    tpu.vector_store %arg8[%swap3A_498, %swap3A_499], %select_n3A_497 {strides = array<i32>} : memref<512x256xf32, #tpu.memory_space<vmem>>, vector<512x256xf32>,
    %get3A_501 = arith.constant 0 : index
    %get3A_502 = arith.constant 0 : index
    %get3A_503 = vector.load %arg5[%get3A_501, %get3A_502] : memref<512x256xf32, #tpu.memory_space<vmem>>, vector<512x256xf32>
    %reduce_min3A_504 = arith.constant dense<0x7F800000> : vector<512xf32>
    %reduce_min3A_505 = vector.multi_reduction <minimumf>, %get3A_503, %reduce_min3A_504 [1] : vector<512x256xf32> to vector<512xf32>
    %broadcast_in_dim3A_506 = vector.shape_cast %reduce_min3A_505 : vector<512xf32> to vector<512x1xf32>
    %eq3A_507 = vector.broadcast %broadcast_in_dim3A_506 : vector<512x1xf32> to vector<512x256xf32>
    %eq3A_508 = arith.cmpf oeq, %get3A_503, %eq3A_507 : vector<512x256xf32>
    %jit3A_509 = arith.constant 0x7F800000 : f32
    %broadcast_in_dim3A_510 = vector.broadcast %jit3A_509 : f32 to vector<512x256xf32>
    %select_n3A_511 = arith.select %eq3A_508, %convert_element_type3A_238, %broadcast_in_dim3A_510 : vector<512x256xi1>, vector<512x256xf32>
    %reduce_min3A_512 = arith.constant dense<0x7F800000> : vector<512xf32>
    %reduce_min3A_513 = vector.multi_reduction <minimumf>, %select_n3A_511, %reduce_min3A_512 [1] : vector<512x256xf32> to vector<512xf32>
    %broadcast_in_dim3A_514 = vector.shape_cast %reduce_min3A_513 : vector<512xf32> to vector<512x1xf32>
    %bitcast_convert_type3A_515 = tpu.bitcast %broadcast_in_dim3A_506 : vector<512x1xf32> -> vector<512x1xi32>
    %and3A_516 = arith.constant 15 : i32
    %and3A_517 = vector.broadcast %and3A_516 : i32 to vector<512x1xi32>
    %and3A_518 = arith.andi %bitcast_convert_type3A_515, %and3A_517 : vector<512x1xi32>
    %mul3A_519 = arith.constant 256 : i32
    %mul3A_520 = vector.broadcast %mul3A_519 : i32 to vector<512x1xi32>
    %mul3A_521 = arith.muli %and3A_518, %mul3A_520 : vector<512x1xi32>
    %convert_element_type3A_522 = arith.fptosi %broadcast_in_dim3A_514 : vector<512x1xf32> to vector<512x1xi32>
    %add3A_523 = arith.addi %mul3A_521, %convert_element_type3A_522 : vector<512x1xi32>
    %swap3A_524 = arith.constant 0 : index
    %swap3A_525 = arith.constant 4 : index
    %swap3A_526 = vector.load %arg3[%swap3A_524, %swap3A_525] : memref<512x16xi32, #tpu.memory_space<vmem>>, vector<512x1xi32>
    tpu.vector_store %arg3[%swap3A_524, %swap3A_525], %add3A_523 {strides = array<i32>} : memref<512x16xi32, #tpu.memory_space<vmem>>, vector<512x1xi32>,
    %eq3A_527 = vector.broadcast %broadcast_in_dim3A_514 : vector<512x1xf32> to vector<512x256xf32>
    %eq3A_528 = arith.cmpf oeq, %convert_element_type3A_238, %eq3A_527 : vector<512x256xf32>
    %get3A_529 = arith.constant 0 : index
    %get3A_530 = arith.constant 0 : index
    %get3A_531 = vector.load %arg6[%get3A_529, %get3A_530] : memref<512x256xf32, #tpu.memory_space<vmem>>, vector<512x256xf32>
    %get3A_532 = arith.constant 0 : index
    %get3A_533 = arith.constant 0 : index
    %get3A_534 = vector.load %arg7[%get3A_532, %get3A_533] : memref<512x256xf32, #tpu.memory_space<vmem>>, vector<512x256xf32>
    %get3A_535 = arith.constant 0 : index
    %get3A_536 = arith.constant 0 : index
    %get3A_537 = vector.load %arg8[%get3A_535, %get3A_536] : memref<512x256xf32, #tpu.memory_space<vmem>>, vector<512x256xf32>
    %select_n3A_538 = arith.select %eq3A_528, %get3A_531, %get3A_503 : vector<512x256xi1>, vector<512x256xf32>
    %swap3A_539 = arith.constant 0 : index
    %swap3A_540 = arith.constant 0 : index
    %swap3A_541 = vector.load %arg5[%swap3A_539, %swap3A_540] : memref<512x256xf32, #tpu.memory_space<vmem>>, vector<512x256xf32>
    tpu.vector_store %arg5[%swap3A_539, %swap3A_540], %select_n3A_538 {strides = array<i32>} : memref<512x256xf32, #tpu.memory_space<vmem>>, vector<512x256xf32>,
    %select_n3A_542 = arith.select %eq3A_528, %get3A_534, %get3A_531 : vector<512x256xi1>, vector<512x256xf32>
    %swap3A_543 = arith.constant 0 : index
    %swap3A_544 = arith.constant 0 : index
    %swap3A_545 = vector.load %arg6[%swap3A_543, %swap3A_544] : memref<512x256xf32, #tpu.memory_space<vmem>>, vector<512x256xf32>
    tpu.vector_store %arg6[%swap3A_543, %swap3A_544], %select_n3A_542 {strides = array<i32>} : memref<512x256xf32, #tpu.memory_space<vmem>>, vector<512x256xf32>,
    %select_n3A_546 = arith.select %eq3A_528, %get3A_537, %get3A_534 : vector<512x256xi1>, vector<512x256xf32>
    %swap3A_547 = arith.constant 0 : index
    %swap3A_548 = arith.constant 0 : index
    %swap3A_549 = vector.load %arg7[%swap3A_547, %swap3A_548] : memref<512x256xf32, #tpu.memory_space<vmem>>, vector<512x256xf32>
    tpu.vector_store %arg7[%swap3A_547, %swap3A_548], %select_n3A_546 {strides = array<i32>} : memref<512x256xf32, #tpu.memory_space<vmem>>, vector<512x256xf32>,
    %jit3A_550 = arith.constant 0x7F800000 : f32
    %broadcast_in_dim3A_551 = vector.broadcast %jit3A_550 : f32 to vector<512x256xf32>
    %select_n3A_552 = arith.select %eq3A_528, %broadcast_in_dim3A_551, %get3A_537 : vector<512x256xi1>, vector<512x256xf32>
    %swap3A_553 = arith.constant 0 : index
    %swap3A_554 = arith.constant 0 : index
    %swap3A_555 = vector.load %arg8[%swap3A_553, %swap3A_554] : memref<512x256xf32, #tpu.memory_space<vmem>>, vector<512x256xf32>
    tpu.vector_store %arg8[%swap3A_553, %swap3A_554], %select_n3A_552 {strides = array<i32>} : memref<512x256xf32, #tpu.memory_space<vmem>>, vector<512x256xf32>,
    %get3A_556 = arith.constant 0 : index
    %get3A_557 = arith.constant 0 : index
    %get3A_558 = vector.load %arg5[%get3A_556, %get3A_557] : memref<512x256xf32, #tpu.memory_space<vmem>>, vector<512x256xf32>
    %reduce_min3A_559 = arith.constant dense<0x7F800000> : vector<512xf32>
    %reduce_min3A_560 = vector.multi_reduction <minimumf>, %get3A_558, %reduce_min3A_559 [1] : vector<512x256xf32> to vector<512xf32>
    %broadcast_in_dim3A_561 = vector.shape_cast %reduce_min3A_560 : vector<512xf32> to vector<512x1xf32>
    %eq3A_562 = vector.broadcast %broadcast_in_dim3A_561 : vector<512x1xf32> to vector<512x256xf32>
    %eq3A_563 = arith.cmpf oeq, %get3A_558, %eq3A_562 : vector<512x256xf32>
    %jit3A_564 = arith.constant 0x7F800000 : f32
    %broadcast_in_dim3A_565 = vector.broadcast %jit3A_564 : f32 to vector<512x256xf32>
    %select_n3A_566 = arith.select %eq3A_563, %convert_element_type3A_238, %broadcast_in_dim3A_565 : vector<512x256xi1>, vector<512x256xf32>
    %reduce_min3A_567 = arith.constant dense<0x7F800000> : vector<512xf32>
    %reduce_min3A_568 = vector.multi_reduction <minimumf>, %select_n3A_566, %reduce_min3A_567 [1] : vector<512x256xf32> to vector<512xf32>
    %broadcast_in_dim3A_569 = vector.shape_cast %reduce_min3A_568 : vector<512xf32> to vector<512x1xf32>
    %bitcast_convert_type3A_570 = tpu.bitcast %broadcast_in_dim3A_561 : vector<512x1xf32> -> vector<512x1xi32>
    %and3A_571 = arith.constant 15 : i32
    %and3A_572 = vector.broadcast %and3A_571 : i32 to vector<512x1xi32>
    %and3A_573 = arith.andi %bitcast_convert_type3A_570, %and3A_572 : vector<512x1xi32>
    %mul3A_574 = arith.constant 256 : i32
    %mul3A_575 = vector.broadcast %mul3A_574 : i32 to vector<512x1xi32>
    %mul3A_576 = arith.muli %and3A_573, %mul3A_575 : vector<512x1xi32>
    %convert_element_type3A_577 = arith.fptosi %broadcast_in_dim3A_569 : vector<512x1xf32> to vector<512x1xi32>
    %add3A_578 = arith.addi %mul3A_576, %convert_element_type3A_577 : vector<512x1xi32>
    %swap3A_579 = arith.constant 0 : index
    %swap3A_580 = arith.constant 5 : index
    %swap3A_581 = vector.load %arg3[%swap3A_579, %swap3A_580] : memref<512x16xi32, #tpu.memory_space<vmem>>, vector<512x1xi32>
    tpu.vector_store %arg3[%swap3A_579, %swap3A_580], %add3A_578 {strides = array<i32>} : memref<512x16xi32, #tpu.memory_space<vmem>>, vector<512x1xi32>,
    %eq3A_582 = vector.broadcast %broadcast_in_dim3A_569 : vector<512x1xf32> to vector<512x256xf32>
    %eq3A_583 = arith.cmpf oeq, %convert_element_type3A_238, %eq3A_582 : vector<512x256xf32>
    %get3A_584 = arith.constant 0 : index
    %get3A_585 = arith.constant 0 : index
    %get3A_586 = vector.load %arg6[%get3A_584, %get3A_585] : memref<512x256xf32, #tpu.memory_space<vmem>>, vector<512x256xf32>
    %get3A_587 = arith.constant 0 : index
    %get3A_588 = arith.constant 0 : index
    %get3A_589 = vector.load %arg7[%get3A_587, %get3A_588] : memref<512x256xf32, #tpu.memory_space<vmem>>, vector<512x256xf32>
    %get3A_590 = arith.constant 0 : index
    %get3A_591 = arith.constant 0 : index
    %get3A_592 = vector.load %arg8[%get3A_590, %get3A_591] : memref<512x256xf32, #tpu.memory_space<vmem>>, vector<512x256xf32>
    %select_n3A_593 = arith.select %eq3A_583, %get3A_586, %get3A_558 : vector<512x256xi1>, vector<512x256xf32>
    %swap3A_594 = arith.constant 0 : index
    %swap3A_595 = arith.constant 0 : index
    %swap3A_596 = vector.load %arg5[%swap3A_594, %swap3A_595] : memref<512x256xf32, #tpu.memory_space<vmem>>, vector<512x256xf32>
    tpu.vector_store %arg5[%swap3A_594, %swap3A_595], %select_n3A_593 {strides = array<i32>} : memref<512x256xf32, #tpu.memory_space<vmem>>, vector<512x256xf32>,
    %select_n3A_597 = arith.select %eq3A_583, %get3A_589, %get3A_586 : vector<512x256xi1>, vector<512x256xf32>
    %swap3A_598 = arith.constant 0 : index
    %swap3A_599 = arith.constant 0 : index
    %swap3A_600 = vector.load %arg6[%swap3A_598, %swap3A_599] : memref<512x256xf32, #tpu.memory_space<vmem>>, vector<512x256xf32>
    tpu.vector_store %arg6[%swap3A_598, %swap3A_599], %select_n3A_597 {strides = array<i32>} : memref<512x256xf32, #tpu.memory_space<vmem>>, vector<512x256xf32>,
    %select_n3A_601 = arith.select %eq3A_583, %get3A_592, %get3A_589 : vector<512x256xi1>, vector<512x256xf32>
    %swap3A_602 = arith.constant 0 : index
    %swap3A_603 = arith.constant 0 : index
    %swap3A_604 = vector.load %arg7[%swap3A_602, %swap3A_603] : memref<512x256xf32, #tpu.memory_space<vmem>>, vector<512x256xf32>
    tpu.vector_store %arg7[%swap3A_602, %swap3A_603], %select_n3A_601 {strides = array<i32>} : memref<512x256xf32, #tpu.memory_space<vmem>>, vector<512x256xf32>,
    %jit3A_605 = arith.constant 0x7F800000 : f32
    %broadcast_in_dim3A_606 = vector.broadcast %jit3A_605 : f32 to vector<512x256xf32>
    %select_n3A_607 = arith.select %eq3A_583, %broadcast_in_dim3A_606, %get3A_592 : vector<512x256xi1>, vector<512x256xf32>
    %swap3A_608 = arith.constant 0 : index
    %swap3A_609 = arith.constant 0 : index
    %swap3A_610 = vector.load %arg8[%swap3A_608, %swap3A_609] : memref<512x256xf32, #tpu.memory_space<vmem>>, vector<512x256xf32>
    tpu.vector_store %arg8[%swap3A_608, %swap3A_609], %select_n3A_607 {strides = array<i32>} : memref<512x256xf32, #tpu.memory_space<vmem>>, vector<512x256xf32>,
    %get3A_611 = arith.constant 0 : index
    %get3A_612 = arith.constant 0 : index
    %get3A_613 = vector.load %arg5[%get3A_611, %get3A_612] : memref<512x256xf32, #tpu.memory_space<vmem>>, vector<512x256xf32>
    %reduce_min3A_614 = arith.constant dense<0x7F800000> : vector<512xf32>
    %reduce_min3A_615 = vector.multi_reduction <minimumf>, %get3A_613, %reduce_min3A_614 [1] : vector<512x256xf32> to vector<512xf32>
    %broadcast_in_dim3A_616 = vector.shape_cast %reduce_min3A_615 : vector<512xf32> to vector<512x1xf32>
    %eq3A_617 = vector.broadcast %broadcast_in_dim3A_616 : vector<512x1xf32> to vector<512x256xf32>
    %eq3A_618 = arith.cmpf oeq, %get3A_613, %eq3A_617 : vector<512x256xf32>
    %jit3A_619 = arith.constant 0x7F800000 : f32
    %broadcast_in_dim3A_620 = vector.broadcast %jit3A_619 : f32 to vector<512x256xf32>
    %select_n3A_621 = arith.select %eq3A_618, %convert_element_type3A_238, %broadcast_in_dim3A_620 : vector<512x256xi1>, vector<512x256xf32>
    %reduce_min3A_622 = arith.constant dense<0x7F800000> : vector<512xf32>
    %reduce_min3A_623 = vector.multi_reduction <minimumf>, %select_n3A_621, %reduce_min3A_622 [1] : vector<512x256xf32> to vector<512xf32>
    %broadcast_in_dim3A_624 = vector.shape_cast %reduce_min3A_623 : vector<512xf32> to vector<512x1xf32>
    %bitcast_convert_type3A_625 = tpu.bitcast %broadcast_in_dim3A_616 : vector<512x1xf32> -> vector<512x1xi32>
    %and3A_626 = arith.constant 15 : i32
    %and3A_627 = vector.broadcast %and3A_626 : i32 to vector<512x1xi32>
    %and3A_628 = arith.andi %bitcast_convert_type3A_625, %and3A_627 : vector<512x1xi32>
    %mul3A_629 = arith.constant 256 : i32
    %mul3A_630 = vector.broadcast %mul3A_629 : i32 to vector<512x1xi32>
    %mul3A_631 = arith.muli %and3A_628, %mul3A_630 : vector<512x1xi32>
    %convert_element_type3A_632 = arith.fptosi %broadcast_in_dim3A_624 : vector<512x1xf32> to vector<512x1xi32>
    %add3A_633 = arith.addi %mul3A_631, %convert_element_type3A_632 : vector<512x1xi32>
    %swap3A_634 = arith.constant 0 : index
    %swap3A_635 = arith.constant 6 : index
    %swap3A_636 = vector.load %arg3[%swap3A_634, %swap3A_635] : memref<512x16xi32, #tpu.memory_space<vmem>>, vector<512x1xi32>
    tpu.vector_store %arg3[%swap3A_634, %swap3A_635], %add3A_633 {strides = array<i32>} : memref<512x16xi32, #tpu.memory_space<vmem>>, vector<512x1xi32>,
    %eq3A_637 = vector.broadcast %broadcast_in_dim3A_624 : vector<512x1xf32> to vector<512x256xf32>
    %eq3A_638 = arith.cmpf oeq, %convert_element_type3A_238, %eq3A_637 : vector<512x256xf32>
    %get3A_639 = arith.constant 0 : index
    %get3A_640 = arith.constant 0 : index
    %get3A_641 = vector.load %arg6[%get3A_639, %get3A_640] : memref<512x256xf32, #tpu.memory_space<vmem>>, vector<512x256xf32>
    %get3A_642 = arith.constant 0 : index
    %get3A_643 = arith.constant 0 : index
    %get3A_644 = vector.load %arg7[%get3A_642, %get3A_643] : memref<512x256xf32, #tpu.memory_space<vmem>>, vector<512x256xf32>
    %get3A_645 = arith.constant 0 : index
    %get3A_646 = arith.constant 0 : index
    %get3A_647 = vector.load %arg8[%get3A_645, %get3A_646] : memref<512x256xf32, #tpu.memory_space<vmem>>, vector<512x256xf32>
    %select_n3A_648 = arith.select %eq3A_638, %get3A_641, %get3A_613 : vector<512x256xi1>, vector<512x256xf32>
    %swap3A_649 = arith.constant 0 : index
    %swap3A_650 = arith.constant 0 : index
    %swap3A_651 = vector.load %arg5[%swap3A_649, %swap3A_650] : memref<512x256xf32, #tpu.memory_space<vmem>>, vector<512x256xf32>
    tpu.vector_store %arg5[%swap3A_649, %swap3A_650], %select_n3A_648 {strides = array<i32>} : memref<512x256xf32, #tpu.memory_space<vmem>>, vector<512x256xf32>,
    %select_n3A_652 = arith.select %eq3A_638, %get3A_644, %get3A_641 : vector<512x256xi1>, vector<512x256xf32>
    %swap3A_653 = arith.constant 0 : index
    %swap3A_654 = arith.constant 0 : index
    %swap3A_655 = vector.load %arg6[%swap3A_653, %swap3A_654] : memref<512x256xf32, #tpu.memory_space<vmem>>, vector<512x256xf32>
    tpu.vector_store %arg6[%swap3A_653, %swap3A_654], %select_n3A_652 {strides = array<i32>} : memref<512x256xf32, #tpu.memory_space<vmem>>, vector<512x256xf32>,
    %select_n3A_656 = arith.select %eq3A_638, %get3A_647, %get3A_644 : vector<512x256xi1>, vector<512x256xf32>
    %swap3A_657 = arith.constant 0 : index
    %swap3A_658 = arith.constant 0 : index
    %swap3A_659 = vector.load %arg7[%swap3A_657, %swap3A_658] : memref<512x256xf32, #tpu.memory_space<vmem>>, vector<512x256xf32>
    tpu.vector_store %arg7[%swap3A_657, %swap3A_658], %select_n3A_656 {strides = array<i32>} : memref<512x256xf32, #tpu.memory_space<vmem>>, vector<512x256xf32>,
    %jit3A_660 = arith.constant 0x7F800000 : f32
    %broadcast_in_dim3A_661 = vector.broadcast %jit3A_660 : f32 to vector<512x256xf32>
    %select_n3A_662 = arith.select %eq3A_638, %broadcast_in_dim3A_661, %get3A_647 : vector<512x256xi1>, vector<512x256xf32>
    %swap3A_663 = arith.constant 0 : index
    %swap3A_664 = arith.constant 0 : index
    %swap3A_665 = vector.load %arg8[%swap3A_663, %swap3A_664] : memref<512x256xf32, #tpu.memory_space<vmem>>, vector<512x256xf32>
    tpu.vector_store %arg8[%swap3A_663, %swap3A_664], %select_n3A_662 {strides = array<i32>} : memref<512x256xf32, #tpu.memory_space<vmem>>, vector<512x256xf32>,
    %get3A_666 = arith.constant 0 : index
    %get3A_667 = arith.constant 0 : index
    %get3A_668 = vector.load %arg5[%get3A_666, %get3A_667] : memref<512x256xf32, #tpu.memory_space<vmem>>, vector<512x256xf32>
    %reduce_min3A_669 = arith.constant dense<0x7F800000> : vector<512xf32>
    %reduce_min3A_670 = vector.multi_reduction <minimumf>, %get3A_668, %reduce_min3A_669 [1] : vector<512x256xf32> to vector<512xf32>
    %broadcast_in_dim3A_671 = vector.shape_cast %reduce_min3A_670 : vector<512xf32> to vector<512x1xf32>
    %eq3A_672 = vector.broadcast %broadcast_in_dim3A_671 : vector<512x1xf32> to vector<512x256xf32>
    %eq3A_673 = arith.cmpf oeq, %get3A_668, %eq3A_672 : vector<512x256xf32>
    %jit3A_674 = arith.constant 0x7F800000 : f32
    %broadcast_in_dim3A_675 = vector.broadcast %jit3A_674 : f32 to vector<512x256xf32>
    %select_n3A_676 = arith.select %eq3A_673, %convert_element_type3A_238, %broadcast_in_dim3A_675 : vector<512x256xi1>, vector<512x256xf32>
    %reduce_min3A_677 = arith.constant dense<0x7F800000> : vector<512xf32>
    %reduce_min3A_678 = vector.multi_reduction <minimumf>, %select_n3A_676, %reduce_min3A_677 [1] : vector<512x256xf32> to vector<512xf32>
    %broadcast_in_dim3A_679 = vector.shape_cast %reduce_min3A_678 : vector<512xf32> to vector<512x1xf32>
    %bitcast_convert_type3A_680 = tpu.bitcast %broadcast_in_dim3A_671 : vector<512x1xf32> -> vector<512x1xi32>
    %and3A_681 = arith.constant 15 : i32
    %and3A_682 = vector.broadcast %and3A_681 : i32 to vector<512x1xi32>
    %and3A_683 = arith.andi %bitcast_convert_type3A_680, %and3A_682 : vector<512x1xi32>
    %mul3A_684 = arith.constant 256 : i32
    %mul3A_685 = vector.broadcast %mul3A_684 : i32 to vector<512x1xi32>
    %mul3A_686 = arith.muli %and3A_683, %mul3A_685 : vector<512x1xi32>
    %convert_element_type3A_687 = arith.fptosi %broadcast_in_dim3A_679 : vector<512x1xf32> to vector<512x1xi32>
    %add3A_688 = arith.addi %mul3A_686, %convert_element_type3A_687 : vector<512x1xi32>
    %swap3A_689 = arith.constant 0 : index
    %swap3A_690 = arith.constant 7 : index
    %swap3A_691 = vector.load %arg3[%swap3A_689, %swap3A_690] : memref<512x16xi32, #tpu.memory_space<vmem>>, vector<512x1xi32>
    tpu.vector_store %arg3[%swap3A_689, %swap3A_690], %add3A_688 {strides = array<i32>} : memref<512x16xi32, #tpu.memory_space<vmem>>, vector<512x1xi32>,
    %eq3A_692 = vector.broadcast %broadcast_in_dim3A_679 : vector<512x1xf32> to vector<512x256xf32>
    %eq3A_693 = arith.cmpf oeq, %convert_element_type3A_238, %eq3A_692 : vector<512x256xf32>
    %get3A_694 = arith.constant 0 : index
    %get3A_695 = arith.constant 0 : index
    %get3A_696 = vector.load %arg6[%get3A_694, %get3A_695] : memref<512x256xf32, #tpu.memory_space<vmem>>, vector<512x256xf32>
    %get3A_697 = arith.constant 0 : index
    %get3A_698 = arith.constant 0 : index
    %get3A_699 = vector.load %arg7[%get3A_697, %get3A_698] : memref<512x256xf32, #tpu.memory_space<vmem>>, vector<512x256xf32>
    %get3A_700 = arith.constant 0 : index
    %get3A_701 = arith.constant 0 : index
    %get3A_702 = vector.load %arg8[%get3A_700, %get3A_701] : memref<512x256xf32, #tpu.memory_space<vmem>>, vector<512x256xf32>
    %select_n3A_703 = arith.select %eq3A_693, %get3A_696, %get3A_668 : vector<512x256xi1>, vector<512x256xf32>
    %swap3A_704 = arith.constant 0 : index
    %swap3A_705 = arith.constant 0 : index
    %swap3A_706 = vector.load %arg5[%swap3A_704, %swap3A_705] : memref<512x256xf32, #tpu.memory_space<vmem>>, vector<512x256xf32>
    tpu.vector_store %arg5[%swap3A_704, %swap3A_705], %select_n3A_703 {strides = array<i32>} : memref<512x256xf32, #tpu.memory_space<vmem>>, vector<512x256xf32>,
    %select_n3A_707 = arith.select %eq3A_693, %get3A_699, %get3A_696 : vector<512x256xi1>, vector<512x256xf32>
    %swap3A_708 = arith.constant 0 : index
    %swap3A_709 = arith.constant 0 : index
    %swap3A_710 = vector.load %arg6[%swap3A_708, %swap3A_709] : memref<512x256xf32, #tpu.memory_space<vmem>>, vector<512x256xf32>
    tpu.vector_store %arg6[%swap3A_708, %swap3A_709], %select_n3A_707 {strides = array<i32>} : memref<512x256xf32, #tpu.memory_space<vmem>>, vector<512x256xf32>,
    %select_n3A_711 = arith.select %eq3A_693, %get3A_702, %get3A_699 : vector<512x256xi1>, vector<512x256xf32>
    %swap3A_712 = arith.constant 0 : index
    %swap3A_713 = arith.constant 0 : index
    %swap3A_714 = vector.load %arg7[%swap3A_712, %swap3A_713] : memref<512x256xf32, #tpu.memory_space<vmem>>, vector<512x256xf32>
    tpu.vector_store %arg7[%swap3A_712, %swap3A_713], %select_n3A_711 {strides = array<i32>} : memref<512x256xf32, #tpu.memory_space<vmem>>, vector<512x256xf32>,
    %jit3A_715 = arith.constant 0x7F800000 : f32
    %broadcast_in_dim3A_716 = vector.broadcast %jit3A_715 : f32 to vector<512x256xf32>
    %select_n3A_717 = arith.select %eq3A_693, %broadcast_in_dim3A_716, %get3A_702 : vector<512x256xi1>, vector<512x256xf32>
    %swap3A_718 = arith.constant 0 : index
    %swap3A_719 = arith.constant 0 : index
    %swap3A_720 = vector.load %arg8[%swap3A_718, %swap3A_719] : memref<512x256xf32, #tpu.memory_space<vmem>>, vector<512x256xf32>
    tpu.vector_store %arg8[%swap3A_718, %swap3A_719], %select_n3A_717 {strides = array<i32>} : memref<512x256xf32, #tpu.memory_space<vmem>>, vector<512x256xf32>,
    %get3A_721 = arith.constant 0 : index
    %get3A_722 = arith.constant 0 : index
    %get3A_723 = vector.load %arg5[%get3A_721, %get3A_722] : memref<512x256xf32, #tpu.memory_space<vmem>>, vector<512x256xf32>
    %reduce_min3A_724 = arith.constant dense<0x7F800000> : vector<512xf32>
    %reduce_min3A_725 = vector.multi_reduction <minimumf>, %get3A_723, %reduce_min3A_724 [1] : vector<512x256xf32> to vector<512xf32>
    %broadcast_in_dim3A_726 = vector.shape_cast %reduce_min3A_725 : vector<512xf32> to vector<512x1xf32>
    %eq3A_727 = vector.broadcast %broadcast_in_dim3A_726 : vector<512x1xf32> to vector<512x256xf32>
    %eq3A_728 = arith.cmpf oeq, %get3A_723, %eq3A_727 : vector<512x256xf32>
    %jit3A_729 = arith.constant 0x7F800000 : f32
    %broadcast_in_dim3A_730 = vector.broadcast %jit3A_729 : f32 to vector<512x256xf32>
    %select_n3A_731 = arith.select %eq3A_728, %convert_element_type3A_238, %broadcast_in_dim3A_730 : vector<512x256xi1>, vector<512x256xf32>
    %reduce_min3A_732 = arith.constant dense<0x7F800000> : vector<512xf32>
    %reduce_min3A_733 = vector.multi_reduction <minimumf>, %select_n3A_731, %reduce_min3A_732 [1] : vector<512x256xf32> to vector<512xf32>
    %broadcast_in_dim3A_734 = vector.shape_cast %reduce_min3A_733 : vector<512xf32> to vector<512x1xf32>
    %bitcast_convert_type3A_735 = tpu.bitcast %broadcast_in_dim3A_726 : vector<512x1xf32> -> vector<512x1xi32>
    %and3A_736 = arith.constant 15 : i32
    %and3A_737 = vector.broadcast %and3A_736 : i32 to vector<512x1xi32>
    %and3A_738 = arith.andi %bitcast_convert_type3A_735, %and3A_737 : vector<512x1xi32>
    %mul3A_739 = arith.constant 256 : i32
    %mul3A_740 = vector.broadcast %mul3A_739 : i32 to vector<512x1xi32>
    %mul3A_741 = arith.muli %and3A_738, %mul3A_740 : vector<512x1xi32>
    %convert_element_type3A_742 = arith.fptosi %broadcast_in_dim3A_734 : vector<512x1xf32> to vector<512x1xi32>
    %add3A_743 = arith.addi %mul3A_741, %convert_element_type3A_742 : vector<512x1xi32>
    %swap3A_744 = arith.constant 0 : index
    %swap3A_745 = arith.constant 8 : index
    %swap3A_746 = vector.load %arg3[%swap3A_744, %swap3A_745] : memref<512x16xi32, #tpu.memory_space<vmem>>, vector<512x1xi32>
    tpu.vector_store %arg3[%swap3A_744, %swap3A_745], %add3A_743 {strides = array<i32>} : memref<512x16xi32, #tpu.memory_space<vmem>>, vector<512x1xi32>,
    %eq3A_747 = vector.broadcast %broadcast_in_dim3A_734 : vector<512x1xf32> to vector<512x256xf32>
    %eq3A_748 = arith.cmpf oeq, %convert_element_type3A_238, %eq3A_747 : vector<512x256xf32>
    %get3A_749 = arith.constant 0 : index
    %get3A_750 = arith.constant 0 : index
    %get3A_751 = vector.load %arg6[%get3A_749, %get3A_750] : memref<512x256xf32, #tpu.memory_space<vmem>>, vector<512x256xf32>
    %get3A_752 = arith.constant 0 : index
    %get3A_753 = arith.constant 0 : index
    %get3A_754 = vector.load %arg7[%get3A_752, %get3A_753] : memref<512x256xf32, #tpu.memory_space<vmem>>, vector<512x256xf32>
    %get3A_755 = arith.constant 0 : index
    %get3A_756 = arith.constant 0 : index
    %get3A_757 = vector.load %arg8[%get3A_755, %get3A_756] : memref<512x256xf32, #tpu.memory_space<vmem>>, vector<512x256xf32>
    %select_n3A_758 = arith.select %eq3A_748, %get3A_751, %get3A_723 : vector<512x256xi1>, vector<512x256xf32>
    %swap3A_759 = arith.constant 0 : index
    %swap3A_760 = arith.constant 0 : index
    %swap3A_761 = vector.load %arg5[%swap3A_759, %swap3A_760] : memref<512x256xf32, #tpu.memory_space<vmem>>, vector<512x256xf32>
    tpu.vector_store %arg5[%swap3A_759, %swap3A_760], %select_n3A_758 {strides = array<i32>} : memref<512x256xf32, #tpu.memory_space<vmem>>, vector<512x256xf32>,
    %select_n3A_762 = arith.select %eq3A_748, %get3A_754, %get3A_751 : vector<512x256xi1>, vector<512x256xf32>
    %swap3A_763 = arith.constant 0 : index
    %swap3A_764 = arith.constant 0 : index
    %swap3A_765 = vector.load %arg6[%swap3A_763, %swap3A_764] : memref<512x256xf32, #tpu.memory_space<vmem>>, vector<512x256xf32>
    tpu.vector_store %arg6[%swap3A_763, %swap3A_764], %select_n3A_762 {strides = array<i32>} : memref<512x256xf32, #tpu.memory_space<vmem>>, vector<512x256xf32>,
    %select_n3A_766 = arith.select %eq3A_748, %get3A_757, %get3A_754 : vector<512x256xi1>, vector<512x256xf32>
    %swap3A_767 = arith.constant 0 : index
    %swap3A_768 = arith.constant 0 : index
    %swap3A_769 = vector.load %arg7[%swap3A_767, %swap3A_768] : memref<512x256xf32, #tpu.memory_space<vmem>>, vector<512x256xf32>
    tpu.vector_store %arg7[%swap3A_767, %swap3A_768], %select_n3A_766 {strides = array<i32>} : memref<512x256xf32, #tpu.memory_space<vmem>>, vector<512x256xf32>,
    %jit3A_770 = arith.constant 0x7F800000 : f32
    %broadcast_in_dim3A_771 = vector.broadcast %jit3A_770 : f32 to vector<512x256xf32>
    %select_n3A_772 = arith.select %eq3A_748, %broadcast_in_dim3A_771, %get3A_757 : vector<512x256xi1>, vector<512x256xf32>
    %swap3A_773 = arith.constant 0 : index
    %swap3A_774 = arith.constant 0 : index
    %swap3A_775 = vector.load %arg8[%swap3A_773, %swap3A_774] : memref<512x256xf32, #tpu.memory_space<vmem>>, vector<512x256xf32>
    tpu.vector_store %arg8[%swap3A_773, %swap3A_774], %select_n3A_772 {strides = array<i32>} : memref<512x256xf32, #tpu.memory_space<vmem>>, vector<512x256xf32>,
    %get3A_776 = arith.constant 0 : index
    %get3A_777 = arith.constant 0 : index
    %get3A_778 = vector.load %arg5[%get3A_776, %get3A_777] : memref<512x256xf32, #tpu.memory_space<vmem>>, vector<512x256xf32>
    %reduce_min3A_779 = arith.constant dense<0x7F800000> : vector<512xf32>
    %reduce_min3A_780 = vector.multi_reduction <minimumf>, %get3A_778, %reduce_min3A_779 [1] : vector<512x256xf32> to vector<512xf32>
    %broadcast_in_dim3A_781 = vector.shape_cast %reduce_min3A_780 : vector<512xf32> to vector<512x1xf32>
    %eq3A_782 = vector.broadcast %broadcast_in_dim3A_781 : vector<512x1xf32> to vector<512x256xf32>
    %eq3A_783 = arith.cmpf oeq, %get3A_778, %eq3A_782 : vector<512x256xf32>
    %jit3A_784 = arith.constant 0x7F800000 : f32
    %broadcast_in_dim3A_785 = vector.broadcast %jit3A_784 : f32 to vector<512x256xf32>
    %select_n3A_786 = arith.select %eq3A_783, %convert_element_type3A_238, %broadcast_in_dim3A_785 : vector<512x256xi1>, vector<512x256xf32>
    %reduce_min3A_787 = arith.constant dense<0x7F800000> : vector<512xf32>
    %reduce_min3A_788 = vector.multi_reduction <minimumf>, %select_n3A_786, %reduce_min3A_787 [1] : vector<512x256xf32> to vector<512xf32>
    %broadcast_in_dim3A_789 = vector.shape_cast %reduce_min3A_788 : vector<512xf32> to vector<512x1xf32>
    %bitcast_convert_type3A_790 = tpu.bitcast %broadcast_in_dim3A_781 : vector<512x1xf32> -> vector<512x1xi32>
    %and3A_791 = arith.constant 15 : i32
    %and3A_792 = vector.broadcast %and3A_791 : i32 to vector<512x1xi32>
    %and3A_793 = arith.andi %bitcast_convert_type3A_790, %and3A_792 : vector<512x1xi32>
    %mul3A_794 = arith.constant 256 : i32
    %mul3A_795 = vector.broadcast %mul3A_794 : i32 to vector<512x1xi32>
    %mul3A_796 = arith.muli %and3A_793, %mul3A_795 : vector<512x1xi32>
    %convert_element_type3A_797 = arith.fptosi %broadcast_in_dim3A_789 : vector<512x1xf32> to vector<512x1xi32>
    %add3A_798 = arith.addi %mul3A_796, %convert_element_type3A_797 : vector<512x1xi32>
    %swap3A_799 = arith.constant 0 : index
    %swap3A_800 = arith.constant 9 : index
    %swap3A_801 = vector.load %arg3[%swap3A_799, %swap3A_800] : memref<512x16xi32, #tpu.memory_space<vmem>>, vector<512x1xi32>
    tpu.vector_store %arg3[%swap3A_799, %swap3A_800], %add3A_798 {strides = array<i32>} : memref<512x16xi32, #tpu.memory_space<vmem>>, vector<512x1xi32>,
    %eq3A_802 = vector.broadcast %broadcast_in_dim3A_789 : vector<512x1xf32> to vector<512x256xf32>
    %eq3A_803 = arith.cmpf oeq, %convert_element_type3A_238, %eq3A_802 : vector<512x256xf32>
    %get3A_804 = arith.constant 0 : index
    %get3A_805 = arith.constant 0 : index
    %get3A_806 = vector.load %arg6[%get3A_804, %get3A_805] : memref<512x256xf32, #tpu.memory_space<vmem>>, vector<512x256xf32>
    %get3A_807 = arith.constant 0 : index
    %get3A_808 = arith.constant 0 : index
    %get3A_809 = vector.load %arg7[%get3A_807, %get3A_808] : memref<512x256xf32, #tpu.memory_space<vmem>>, vector<512x256xf32>
    %get3A_810 = arith.constant 0 : index
    %get3A_811 = arith.constant 0 : index
    %get3A_812 = vector.load %arg8[%get3A_810, %get3A_811] : memref<512x256xf32, #tpu.memory_space<vmem>>, vector<512x256xf32>
    %select_n3A_813 = arith.select %eq3A_803, %get3A_806, %get3A_778 : vector<512x256xi1>, vector<512x256xf32>
    %swap3A_814 = arith.constant 0 : index
    %swap3A_815 = arith.constant 0 : index
    %swap3A_816 = vector.load %arg5[%swap3A_814, %swap3A_815] : memref<512x256xf32, #tpu.memory_space<vmem>>, vector<512x256xf32>
    tpu.vector_store %arg5[%swap3A_814, %swap3A_815], %select_n3A_813 {strides = array<i32>} : memref<512x256xf32, #tpu.memory_space<vmem>>, vector<512x256xf32>,
    %select_n3A_817 = arith.select %eq3A_803, %get3A_809, %get3A_806 : vector<512x256xi1>, vector<512x256xf32>
    %swap3A_818 = arith.constant 0 : index
    %swap3A_819 = arith.constant 0 : index
    %swap3A_820 = vector.load %arg6[%swap3A_818, %swap3A_819] : memref<512x256xf32, #tpu.memory_space<vmem>>, vector<512x256xf32>
    tpu.vector_store %arg6[%swap3A_818, %swap3A_819], %select_n3A_817 {strides = array<i32>} : memref<512x256xf32, #tpu.memory_space<vmem>>, vector<512x256xf32>,
    %select_n3A_821 = arith.select %eq3A_803, %get3A_812, %get3A_809 : vector<512x256xi1>, vector<512x256xf32>
    %swap3A_822 = arith.constant 0 : index
    %swap3A_823 = arith.constant 0 : index
    %swap3A_824 = vector.load %arg7[%swap3A_822, %swap3A_823] : memref<512x256xf32, #tpu.memory_space<vmem>>, vector<512x256xf32>
    tpu.vector_store %arg7[%swap3A_822, %swap3A_823], %select_n3A_821 {strides = array<i32>} : memref<512x256xf32, #tpu.memory_space<vmem>>, vector<512x256xf32>,
    %jit3A_825 = arith.constant 0x7F800000 : f32
    %broadcast_in_dim3A_826 = vector.broadcast %jit3A_825 : f32 to vector<512x256xf32>
    %select_n3A_827 = arith.select %eq3A_803, %broadcast_in_dim3A_826, %get3A_812 : vector<512x256xi1>, vector<512x256xf32>
    %swap3A_828 = arith.constant 0 : index
    %swap3A_829 = arith.constant 0 : index
    %swap3A_830 = vector.load %arg8[%swap3A_828, %swap3A_829] : memref<512x256xf32, #tpu.memory_space<vmem>>, vector<512x256xf32>
    tpu.vector_store %arg8[%swap3A_828, %swap3A_829], %select_n3A_827 {strides = array<i32>} : memref<512x256xf32, #tpu.memory_space<vmem>>, vector<512x256xf32>,
    %get3A_831 = arith.constant 0 : index
    %get3A_832 = arith.constant 0 : index
    %get3A_833 = vector.load %arg5[%get3A_831, %get3A_832] : memref<512x256xf32, #tpu.memory_space<vmem>>, vector<512x256xf32>
    %reduce_min3A_834 = arith.constant dense<0x7F800000> : vector<512xf32>
    %reduce_min3A_835 = vector.multi_reduction <minimumf>, %get3A_833, %reduce_min3A_834 [1] : vector<512x256xf32> to vector<512xf32>
    %broadcast_in_dim3A_836 = vector.shape_cast %reduce_min3A_835 : vector<512xf32> to vector<512x1xf32>
    %eq3A_837 = vector.broadcast %broadcast_in_dim3A_836 : vector<512x1xf32> to vector<512x256xf32>
    %eq3A_838 = arith.cmpf oeq, %get3A_833, %eq3A_837 : vector<512x256xf32>
    %jit3A_839 = arith.constant 0x7F800000 : f32
    %broadcast_in_dim3A_840 = vector.broadcast %jit3A_839 : f32 to vector<512x256xf32>
    %select_n3A_841 = arith.select %eq3A_838, %convert_element_type3A_238, %broadcast_in_dim3A_840 : vector<512x256xi1>, vector<512x256xf32>
    %reduce_min3A_842 = arith.constant dense<0x7F800000> : vector<512xf32>
    %reduce_min3A_843 = vector.multi_reduction <minimumf>, %select_n3A_841, %reduce_min3A_842 [1] : vector<512x256xf32> to vector<512xf32>
    %broadcast_in_dim3A_844 = vector.shape_cast %reduce_min3A_843 : vector<512xf32> to vector<512x1xf32>
    %bitcast_convert_type3A_845 = tpu.bitcast %broadcast_in_dim3A_836 : vector<512x1xf32> -> vector<512x1xi32>
    %and3A_846 = arith.constant 15 : i32
    %and3A_847 = vector.broadcast %and3A_846 : i32 to vector<512x1xi32>
    %and3A_848 = arith.andi %bitcast_convert_type3A_845, %and3A_847 : vector<512x1xi32>
    %mul3A_849 = arith.constant 256 : i32
    %mul3A_850 = vector.broadcast %mul3A_849 : i32 to vector<512x1xi32>
    %mul3A_851 = arith.muli %and3A_848, %mul3A_850 : vector<512x1xi32>
    %convert_element_type3A_852 = arith.fptosi %broadcast_in_dim3A_844 : vector<512x1xf32> to vector<512x1xi32>
    %add3A_853 = arith.addi %mul3A_851, %convert_element_type3A_852 : vector<512x1xi32>
    %swap3A_854 = arith.constant 0 : index
    %swap3A_855 = arith.constant 10 : index
    %swap3A_856 = vector.load %arg3[%swap3A_854, %swap3A_855] : memref<512x16xi32, #tpu.memory_space<vmem>>, vector<512x1xi32>
    tpu.vector_store %arg3[%swap3A_854, %swap3A_855], %add3A_853 {strides = array<i32>} : memref<512x16xi32, #tpu.memory_space<vmem>>, vector<512x1xi32>,
    %eq3A_857 = vector.broadcast %broadcast_in_dim3A_844 : vector<512x1xf32> to vector<512x256xf32>
    %eq3A_858 = arith.cmpf oeq, %convert_element_type3A_238, %eq3A_857 : vector<512x256xf32>
    %get3A_859 = arith.constant 0 : index
    %get3A_860 = arith.constant 0 : index
    %get3A_861 = vector.load %arg6[%get3A_859, %get3A_860] : memref<512x256xf32, #tpu.memory_space<vmem>>, vector<512x256xf32>
    %get3A_862 = arith.constant 0 : index
    %get3A_863 = arith.constant 0 : index
    %get3A_864 = vector.load %arg7[%get3A_862, %get3A_863] : memref<512x256xf32, #tpu.memory_space<vmem>>, vector<512x256xf32>
    %get3A_865 = arith.constant 0 : index
    %get3A_866 = arith.constant 0 : index
    %get3A_867 = vector.load %arg8[%get3A_865, %get3A_866] : memref<512x256xf32, #tpu.memory_space<vmem>>, vector<512x256xf32>
    %select_n3A_868 = arith.select %eq3A_858, %get3A_861, %get3A_833 : vector<512x256xi1>, vector<512x256xf32>
    %swap3A_869 = arith.constant 0 : index
    %swap3A_870 = arith.constant 0 : index
    %swap3A_871 = vector.load %arg5[%swap3A_869, %swap3A_870] : memref<512x256xf32, #tpu.memory_space<vmem>>, vector<512x256xf32>
    tpu.vector_store %arg5[%swap3A_869, %swap3A_870], %select_n3A_868 {strides = array<i32>} : memref<512x256xf32, #tpu.memory_space<vmem>>, vector<512x256xf32>,
    %select_n3A_872 = arith.select %eq3A_858, %get3A_864, %get3A_861 : vector<512x256xi1>, vector<512x256xf32>
    %swap3A_873 = arith.constant 0 : index
    %swap3A_874 = arith.constant 0 : index
    %swap3A_875 = vector.load %arg6[%swap3A_873, %swap3A_874] : memref<512x256xf32, #tpu.memory_space<vmem>>, vector<512x256xf32>
    tpu.vector_store %arg6[%swap3A_873, %swap3A_874], %select_n3A_872 {strides = array<i32>} : memref<512x256xf32, #tpu.memory_space<vmem>>, vector<512x256xf32>,
    %select_n3A_876 = arith.select %eq3A_858, %get3A_867, %get3A_864 : vector<512x256xi1>, vector<512x256xf32>
    %swap3A_877 = arith.constant 0 : index
    %swap3A_878 = arith.constant 0 : index
    %swap3A_879 = vector.load %arg7[%swap3A_877, %swap3A_878] : memref<512x256xf32, #tpu.memory_space<vmem>>, vector<512x256xf32>
    tpu.vector_store %arg7[%swap3A_877, %swap3A_878], %select_n3A_876 {strides = array<i32>} : memref<512x256xf32, #tpu.memory_space<vmem>>, vector<512x256xf32>,
    %jit3A_880 = arith.constant 0x7F800000 : f32
    %broadcast_in_dim3A_881 = vector.broadcast %jit3A_880 : f32 to vector<512x256xf32>
    %select_n3A_882 = arith.select %eq3A_858, %broadcast_in_dim3A_881, %get3A_867 : vector<512x256xi1>, vector<512x256xf32>
    %swap3A_883 = arith.constant 0 : index
    %swap3A_884 = arith.constant 0 : index
    %swap3A_885 = vector.load %arg8[%swap3A_883, %swap3A_884] : memref<512x256xf32, #tpu.memory_space<vmem>>, vector<512x256xf32>
    tpu.vector_store %arg8[%swap3A_883, %swap3A_884], %select_n3A_882 {strides = array<i32>} : memref<512x256xf32, #tpu.memory_space<vmem>>, vector<512x256xf32>,
    %get3A_886 = arith.constant 0 : index
    %get3A_887 = arith.constant 0 : index
    %get3A_888 = vector.load %arg5[%get3A_886, %get3A_887] : memref<512x256xf32, #tpu.memory_space<vmem>>, vector<512x256xf32>
    %reduce_min3A_889 = arith.constant dense<0x7F800000> : vector<512xf32>
    %reduce_min3A_890 = vector.multi_reduction <minimumf>, %get3A_888, %reduce_min3A_889 [1] : vector<512x256xf32> to vector<512xf32>
    %broadcast_in_dim3A_891 = vector.shape_cast %reduce_min3A_890 : vector<512xf32> to vector<512x1xf32>
    %eq3A_892 = vector.broadcast %broadcast_in_dim3A_891 : vector<512x1xf32> to vector<512x256xf32>
    %eq3A_893 = arith.cmpf oeq, %get3A_888, %eq3A_892 : vector<512x256xf32>
    %jit3A_894 = arith.constant 0x7F800000 : f32
    %broadcast_in_dim3A_895 = vector.broadcast %jit3A_894 : f32 to vector<512x256xf32>
    %select_n3A_896 = arith.select %eq3A_893, %convert_element_type3A_238, %broadcast_in_dim3A_895 : vector<512x256xi1>, vector<512x256xf32>
    %reduce_min3A_897 = arith.constant dense<0x7F800000> : vector<512xf32>
    %reduce_min3A_898 = vector.multi_reduction <minimumf>, %select_n3A_896, %reduce_min3A_897 [1] : vector<512x256xf32> to vector<512xf32>
    %broadcast_in_dim3A_899 = vector.shape_cast %reduce_min3A_898 : vector<512xf32> to vector<512x1xf32>
    %bitcast_convert_type3A_900 = tpu.bitcast %broadcast_in_dim3A_891 : vector<512x1xf32> -> vector<512x1xi32>
    %and3A_901 = arith.constant 15 : i32
    %and3A_902 = vector.broadcast %and3A_901 : i32 to vector<512x1xi32>
    %and3A_903 = arith.andi %bitcast_convert_type3A_900, %and3A_902 : vector<512x1xi32>
    %mul3A_904 = arith.constant 256 : i32
    %mul3A_905 = vector.broadcast %mul3A_904 : i32 to vector<512x1xi32>
    %mul3A_906 = arith.muli %and3A_903, %mul3A_905 : vector<512x1xi32>
    %convert_element_type3A_907 = arith.fptosi %broadcast_in_dim3A_899 : vector<512x1xf32> to vector<512x1xi32>
    %add3A_908 = arith.addi %mul3A_906, %convert_element_type3A_907 : vector<512x1xi32>
    %swap3A_909 = arith.constant 0 : index
    %swap3A_910 = arith.constant 11 : index
    %swap3A_911 = vector.load %arg3[%swap3A_909, %swap3A_910] : memref<512x16xi32, #tpu.memory_space<vmem>>, vector<512x1xi32>
    tpu.vector_store %arg3[%swap3A_909, %swap3A_910], %add3A_908 {strides = array<i32>} : memref<512x16xi32, #tpu.memory_space<vmem>>, vector<512x1xi32>,
    %eq3A_912 = vector.broadcast %broadcast_in_dim3A_899 : vector<512x1xf32> to vector<512x256xf32>
    %eq3A_913 = arith.cmpf oeq, %convert_element_type3A_238, %eq3A_912 : vector<512x256xf32>
    %get3A_914 = arith.constant 0 : index
    %get3A_915 = arith.constant 0 : index
    %get3A_916 = vector.load %arg6[%get3A_914, %get3A_915] : memref<512x256xf32, #tpu.memory_space<vmem>>, vector<512x256xf32>
    %get3A_917 = arith.constant 0 : index
    %get3A_918 = arith.constant 0 : index
    %get3A_919 = vector.load %arg7[%get3A_917, %get3A_918] : memref<512x256xf32, #tpu.memory_space<vmem>>, vector<512x256xf32>
    %get3A_920 = arith.constant 0 : index
    %get3A_921 = arith.constant 0 : index
    %get3A_922 = vector.load %arg8[%get3A_920, %get3A_921] : memref<512x256xf32, #tpu.memory_space<vmem>>, vector<512x256xf32>
    %select_n3A_923 = arith.select %eq3A_913, %get3A_916, %get3A_888 : vector<512x256xi1>, vector<512x256xf32>
    %swap3A_924 = arith.constant 0 : index
    %swap3A_925 = arith.constant 0 : index
    %swap3A_926 = vector.load %arg5[%swap3A_924, %swap3A_925] : memref<512x256xf32, #tpu.memory_space<vmem>>, vector<512x256xf32>
    tpu.vector_store %arg5[%swap3A_924, %swap3A_925], %select_n3A_923 {strides = array<i32>} : memref<512x256xf32, #tpu.memory_space<vmem>>, vector<512x256xf32>,
    %select_n3A_927 = arith.select %eq3A_913, %get3A_919, %get3A_916 : vector<512x256xi1>, vector<512x256xf32>
    %swap3A_928 = arith.constant 0 : index
    %swap3A_929 = arith.constant 0 : index
    %swap3A_930 = vector.load %arg6[%swap3A_928, %swap3A_929] : memref<512x256xf32, #tpu.memory_space<vmem>>, vector<512x256xf32>
    tpu.vector_store %arg6[%swap3A_928, %swap3A_929], %select_n3A_927 {strides = array<i32>} : memref<512x256xf32, #tpu.memory_space<vmem>>, vector<512x256xf32>,
    %select_n3A_931 = arith.select %eq3A_913, %get3A_922, %get3A_919 : vector<512x256xi1>, vector<512x256xf32>
    %swap3A_932 = arith.constant 0 : index
    %swap3A_933 = arith.constant 0 : index
    %swap3A_934 = vector.load %arg7[%swap3A_932, %swap3A_933] : memref<512x256xf32, #tpu.memory_space<vmem>>, vector<512x256xf32>
    tpu.vector_store %arg7[%swap3A_932, %swap3A_933], %select_n3A_931 {strides = array<i32>} : memref<512x256xf32, #tpu.memory_space<vmem>>, vector<512x256xf32>,
    %jit3A_935 = arith.constant 0x7F800000 : f32
    %broadcast_in_dim3A_936 = vector.broadcast %jit3A_935 : f32 to vector<512x256xf32>
    %select_n3A_937 = arith.select %eq3A_913, %broadcast_in_dim3A_936, %get3A_922 : vector<512x256xi1>, vector<512x256xf32>
    %swap3A_938 = arith.constant 0 : index
    %swap3A_939 = arith.constant 0 : index
    %swap3A_940 = vector.load %arg8[%swap3A_938, %swap3A_939] : memref<512x256xf32, #tpu.memory_space<vmem>>, vector<512x256xf32>
    tpu.vector_store %arg8[%swap3A_938, %swap3A_939], %select_n3A_937 {strides = array<i32>} : memref<512x256xf32, #tpu.memory_space<vmem>>, vector<512x256xf32>,
    %get3A_941 = arith.constant 0 : index
    %get3A_942 = arith.constant 0 : index
    %get3A_943 = vector.load %arg5[%get3A_941, %get3A_942] : memref<512x256xf32, #tpu.memory_space<vmem>>, vector<512x256xf32>
    %reduce_min3A_944 = arith.constant dense<0x7F800000> : vector<512xf32>
    %reduce_min3A_945 = vector.multi_reduction <minimumf>, %get3A_943, %reduce_min3A_944 [1] : vector<512x256xf32> to vector<512xf32>
    %broadcast_in_dim3A_946 = vector.shape_cast %reduce_min3A_945 : vector<512xf32> to vector<512x1xf32>
    %eq3A_947 = vector.broadcast %broadcast_in_dim3A_946 : vector<512x1xf32> to vector<512x256xf32>
    %eq3A_948 = arith.cmpf oeq, %get3A_943, %eq3A_947 : vector<512x256xf32>
    %jit3A_949 = arith.constant 0x7F800000 : f32
    %broadcast_in_dim3A_950 = vector.broadcast %jit3A_949 : f32 to vector<512x256xf32>
    %select_n3A_951 = arith.select %eq3A_948, %convert_element_type3A_238, %broadcast_in_dim3A_950 : vector<512x256xi1>, vector<512x256xf32>
    %reduce_min3A_952 = arith.constant dense<0x7F800000> : vector<512xf32>
    %reduce_min3A_953 = vector.multi_reduction <minimumf>, %select_n3A_951, %reduce_min3A_952 [1] : vector<512x256xf32> to vector<512xf32>
    %broadcast_in_dim3A_954 = vector.shape_cast %reduce_min3A_953 : vector<512xf32> to vector<512x1xf32>
    %bitcast_convert_type3A_955 = tpu.bitcast %broadcast_in_dim3A_946 : vector<512x1xf32> -> vector<512x1xi32>
    %and3A_956 = arith.constant 15 : i32
    %and3A_957 = vector.broadcast %and3A_956 : i32 to vector<512x1xi32>
    %and3A_958 = arith.andi %bitcast_convert_type3A_955, %and3A_957 : vector<512x1xi32>
    %mul3A_959 = arith.constant 256 : i32
    %mul3A_960 = vector.broadcast %mul3A_959 : i32 to vector<512x1xi32>
    %mul3A_961 = arith.muli %and3A_958, %mul3A_960 : vector<512x1xi32>
    %convert_element_type3A_962 = arith.fptosi %broadcast_in_dim3A_954 : vector<512x1xf32> to vector<512x1xi32>
    %add3A_963 = arith.addi %mul3A_961, %convert_element_type3A_962 : vector<512x1xi32>
    %swap3A_964 = arith.constant 0 : index
    %swap3A_965 = arith.constant 12 : index
    %swap3A_966 = vector.load %arg3[%swap3A_964, %swap3A_965] : memref<512x16xi32, #tpu.memory_space<vmem>>, vector<512x1xi32>
    tpu.vector_store %arg3[%swap3A_964, %swap3A_965], %add3A_963 {strides = array<i32>} : memref<512x16xi32, #tpu.memory_space<vmem>>, vector<512x1xi32>,
    %eq3A_967 = vector.broadcast %broadcast_in_dim3A_954 : vector<512x1xf32> to vector<512x256xf32>
    %eq3A_968 = arith.cmpf oeq, %convert_element_type3A_238, %eq3A_967 : vector<512x256xf32>
    %get3A_969 = arith.constant 0 : index
    %get3A_970 = arith.constant 0 : index
    %get3A_971 = vector.load %arg6[%get3A_969, %get3A_970] : memref<512x256xf32, #tpu.memory_space<vmem>>, vector<512x256xf32>
    %get3A_972 = arith.constant 0 : index
    %get3A_973 = arith.constant 0 : index
    %get3A_974 = vector.load %arg7[%get3A_972, %get3A_973] : memref<512x256xf32, #tpu.memory_space<vmem>>, vector<512x256xf32>
    %get3A_975 = arith.constant 0 : index
    %get3A_976 = arith.constant 0 : index
    %get3A_977 = vector.load %arg8[%get3A_975, %get3A_976] : memref<512x256xf32, #tpu.memory_space<vmem>>, vector<512x256xf32>
    %select_n3A_978 = arith.select %eq3A_968, %get3A_971, %get3A_943 : vector<512x256xi1>, vector<512x256xf32>
    %swap3A_979 = arith.constant 0 : index
    %swap3A_980 = arith.constant 0 : index
    %swap3A_981 = vector.load %arg5[%swap3A_979, %swap3A_980] : memref<512x256xf32, #tpu.memory_space<vmem>>, vector<512x256xf32>
    tpu.vector_store %arg5[%swap3A_979, %swap3A_980], %select_n3A_978 {strides = array<i32>} : memref<512x256xf32, #tpu.memory_space<vmem>>, vector<512x256xf32>,
    %select_n3A_982 = arith.select %eq3A_968, %get3A_974, %get3A_971 : vector<512x256xi1>, vector<512x256xf32>
    %swap3A_983 = arith.constant 0 : index
    %swap3A_984 = arith.constant 0 : index
    %swap3A_985 = vector.load %arg6[%swap3A_983, %swap3A_984] : memref<512x256xf32, #tpu.memory_space<vmem>>, vector<512x256xf32>
    tpu.vector_store %arg6[%swap3A_983, %swap3A_984], %select_n3A_982 {strides = array<i32>} : memref<512x256xf32, #tpu.memory_space<vmem>>, vector<512x256xf32>,
    %select_n3A_986 = arith.select %eq3A_968, %get3A_977, %get3A_974 : vector<512x256xi1>, vector<512x256xf32>
    %swap3A_987 = arith.constant 0 : index
    %swap3A_988 = arith.constant 0 : index
    %swap3A_989 = vector.load %arg7[%swap3A_987, %swap3A_988] : memref<512x256xf32, #tpu.memory_space<vmem>>, vector<512x256xf32>
    tpu.vector_store %arg7[%swap3A_987, %swap3A_988], %select_n3A_986 {strides = array<i32>} : memref<512x256xf32, #tpu.memory_space<vmem>>, vector<512x256xf32>,
    %jit3A_990 = arith.constant 0x7F800000 : f32
    %broadcast_in_dim3A_991 = vector.broadcast %jit3A_990 : f32 to vector<512x256xf32>
    %select_n3A_992 = arith.select %eq3A_968, %broadcast_in_dim3A_991, %get3A_977 : vector<512x256xi1>, vector<512x256xf32>
    %swap3A_993 = arith.constant 0 : index
    %swap3A_994 = arith.constant 0 : index
    %swap3A_995 = vector.load %arg8[%swap3A_993, %swap3A_994] : memref<512x256xf32, #tpu.memory_space<vmem>>, vector<512x256xf32>
    tpu.vector_store %arg8[%swap3A_993, %swap3A_994], %select_n3A_992 {strides = array<i32>} : memref<512x256xf32, #tpu.memory_space<vmem>>, vector<512x256xf32>,
    %get3A_996 = arith.constant 0 : index
    %get3A_997 = arith.constant 0 : index
    %get3A_998 = vector.load %arg5[%get3A_996, %get3A_997] : memref<512x256xf32, #tpu.memory_space<vmem>>, vector<512x256xf32>
    %reduce_min3A_999 = arith.constant dense<0x7F800000> : vector<512xf32>
    %reduce_min3A_1000 = vector.multi_reduction <minimumf>, %get3A_998, %reduce_min3A_999 [1] : vector<512x256xf32> to vector<512xf32>
    %broadcast_in_dim3A_1001 = vector.shape_cast %reduce_min3A_1000 : vector<512xf32> to vector<512x1xf32>
    %eq3A_1002 = vector.broadcast %broadcast_in_dim3A_1001 : vector<512x1xf32> to vector<512x256xf32>
    %eq3A_1003 = arith.cmpf oeq, %get3A_998, %eq3A_1002 : vector<512x256xf32>
    %jit3A_1004 = arith.constant 0x7F800000 : f32
    %broadcast_in_dim3A_1005 = vector.broadcast %jit3A_1004 : f32 to vector<512x256xf32>
    %select_n3A_1006 = arith.select %eq3A_1003, %convert_element_type3A_238, %broadcast_in_dim3A_1005 : vector<512x256xi1>, vector<512x256xf32>
    %reduce_min3A_1007 = arith.constant dense<0x7F800000> : vector<512xf32>
    %reduce_min3A_1008 = vector.multi_reduction <minimumf>, %select_n3A_1006, %reduce_min3A_1007 [1] : vector<512x256xf32> to vector<512xf32>
    %broadcast_in_dim3A_1009 = vector.shape_cast %reduce_min3A_1008 : vector<512xf32> to vector<512x1xf32>
    %bitcast_convert_type3A_1010 = tpu.bitcast %broadcast_in_dim3A_1001 : vector<512x1xf32> -> vector<512x1xi32>
    %and3A_1011 = arith.constant 15 : i32
    %and3A_1012 = vector.broadcast %and3A_1011 : i32 to vector<512x1xi32>
    %and3A_1013 = arith.andi %bitcast_convert_type3A_1010, %and3A_1012 : vector<512x1xi32>
    %mul3A_1014 = arith.constant 256 : i32
    %mul3A_1015 = vector.broadcast %mul3A_1014 : i32 to vector<512x1xi32>
    %mul3A_1016 = arith.muli %and3A_1013, %mul3A_1015 : vector<512x1xi32>
    %convert_element_type3A_1017 = arith.fptosi %broadcast_in_dim3A_1009 : vector<512x1xf32> to vector<512x1xi32>
    %add3A_1018 = arith.addi %mul3A_1016, %convert_element_type3A_1017 : vector<512x1xi32>
    %swap3A_1019 = arith.constant 0 : index
    %swap3A_1020 = arith.constant 13 : index
    %swap3A_1021 = vector.load %arg3[%swap3A_1019, %swap3A_1020] : memref<512x16xi32, #tpu.memory_space<vmem>>, vector<512x1xi32>
    tpu.vector_store %arg3[%swap3A_1019, %swap3A_1020], %add3A_1018 {strides = array<i32>} : memref<512x16xi32, #tpu.memory_space<vmem>>, vector<512x1xi32>,
    %eq3A_1022 = vector.broadcast %broadcast_in_dim3A_1009 : vector<512x1xf32> to vector<512x256xf32>
    %eq3A_1023 = arith.cmpf oeq, %convert_element_type3A_238, %eq3A_1022 : vector<512x256xf32>
    %get3A_1024 = arith.constant 0 : index
    %get3A_1025 = arith.constant 0 : index
    %get3A_1026 = vector.load %arg6[%get3A_1024, %get3A_1025] : memref<512x256xf32, #tpu.memory_space<vmem>>, vector<512x256xf32>
    %get3A_1027 = arith.constant 0 : index
    %get3A_1028 = arith.constant 0 : index
    %get3A_1029 = vector.load %arg7[%get3A_1027, %get3A_1028] : memref<512x256xf32, #tpu.memory_space<vmem>>, vector<512x256xf32>
    %get3A_1030 = arith.constant 0 : index
    %get3A_1031 = arith.constant 0 : index
    %get3A_1032 = vector.load %arg8[%get3A_1030, %get3A_1031] : memref<512x256xf32, #tpu.memory_space<vmem>>, vector<512x256xf32>
    %select_n3A_1033 = arith.select %eq3A_1023, %get3A_1026, %get3A_998 : vector<512x256xi1>, vector<512x256xf32>
    %swap3A_1034 = arith.constant 0 : index
    %swap3A_1035 = arith.constant 0 : index
    %swap3A_1036 = vector.load %arg5[%swap3A_1034, %swap3A_1035] : memref<512x256xf32, #tpu.memory_space<vmem>>, vector<512x256xf32>
    tpu.vector_store %arg5[%swap3A_1034, %swap3A_1035], %select_n3A_1033 {strides = array<i32>} : memref<512x256xf32, #tpu.memory_space<vmem>>, vector<512x256xf32>,
    %select_n3A_1037 = arith.select %eq3A_1023, %get3A_1029, %get3A_1026 : vector<512x256xi1>, vector<512x256xf32>
    %swap3A_1038 = arith.constant 0 : index
    %swap3A_1039 = arith.constant 0 : index
    %swap3A_1040 = vector.load %arg6[%swap3A_1038, %swap3A_1039] : memref<512x256xf32, #tpu.memory_space<vmem>>, vector<512x256xf32>
    tpu.vector_store %arg6[%swap3A_1038, %swap3A_1039], %select_n3A_1037 {strides = array<i32>} : memref<512x256xf32, #tpu.memory_space<vmem>>, vector<512x256xf32>,
    %select_n3A_1041 = arith.select %eq3A_1023, %get3A_1032, %get3A_1029 : vector<512x256xi1>, vector<512x256xf32>
    %swap3A_1042 = arith.constant 0 : index
    %swap3A_1043 = arith.constant 0 : index
    %swap3A_1044 = vector.load %arg7[%swap3A_1042, %swap3A_1043] : memref<512x256xf32, #tpu.memory_space<vmem>>, vector<512x256xf32>
    tpu.vector_store %arg7[%swap3A_1042, %swap3A_1043], %select_n3A_1041 {strides = array<i32>} : memref<512x256xf32, #tpu.memory_space<vmem>>, vector<512x256xf32>,
    %jit3A_1045 = arith.constant 0x7F800000 : f32
    %broadcast_in_dim3A_1046 = vector.broadcast %jit3A_1045 : f32 to vector<512x256xf32>
    %select_n3A_1047 = arith.select %eq3A_1023, %broadcast_in_dim3A_1046, %get3A_1032 : vector<512x256xi1>, vector<512x256xf32>
    %swap3A_1048 = arith.constant 0 : index
    %swap3A_1049 = arith.constant 0 : index
    %swap3A_1050 = vector.load %arg8[%swap3A_1048, %swap3A_1049] : memref<512x256xf32, #tpu.memory_space<vmem>>, vector<512x256xf32>
    tpu.vector_store %arg8[%swap3A_1048, %swap3A_1049], %select_n3A_1047 {strides = array<i32>} : memref<512x256xf32, #tpu.memory_space<vmem>>, vector<512x256xf32>,
    %get3A_1051 = arith.constant 0 : index
    %get3A_1052 = arith.constant 0 : index
    %get3A_1053 = vector.load %arg5[%get3A_1051, %get3A_1052] : memref<512x256xf32, #tpu.memory_space<vmem>>, vector<512x256xf32>
    %reduce_min3A_1054 = arith.constant dense<0x7F800000> : vector<512xf32>
    %reduce_min3A_1055 = vector.multi_reduction <minimumf>, %get3A_1053, %reduce_min3A_1054 [1] : vector<512x256xf32> to vector<512xf32>
    %broadcast_in_dim3A_1056 = vector.shape_cast %reduce_min3A_1055 : vector<512xf32> to vector<512x1xf32>
    %eq3A_1057 = vector.broadcast %broadcast_in_dim3A_1056 : vector<512x1xf32> to vector<512x256xf32>
    %eq3A_1058 = arith.cmpf oeq, %get3A_1053, %eq3A_1057 : vector<512x256xf32>
    %jit3A_1059 = arith.constant 0x7F800000 : f32
    %broadcast_in_dim3A_1060 = vector.broadcast %jit3A_1059 : f32 to vector<512x256xf32>
    %select_n3A_1061 = arith.select %eq3A_1058, %convert_element_type3A_238, %broadcast_in_dim3A_1060 : vector<512x256xi1>, vector<512x256xf32>
    %reduce_min3A_1062 = arith.constant dense<0x7F800000> : vector<512xf32>
    %reduce_min3A_1063 = vector.multi_reduction <minimumf>, %select_n3A_1061, %reduce_min3A_1062 [1] : vector<512x256xf32> to vector<512xf32>
    %broadcast_in_dim3A_1064 = vector.shape_cast %reduce_min3A_1063 : vector<512xf32> to vector<512x1xf32>
    %bitcast_convert_type3A_1065 = tpu.bitcast %broadcast_in_dim3A_1056 : vector<512x1xf32> -> vector<512x1xi32>
    %and3A_1066 = arith.constant 15 : i32
    %and3A_1067 = vector.broadcast %and3A_1066 : i32 to vector<512x1xi32>
    %and3A_1068 = arith.andi %bitcast_convert_type3A_1065, %and3A_1067 : vector<512x1xi32>
    %mul3A_1069 = arith.constant 256 : i32
    %mul3A_1070 = vector.broadcast %mul3A_1069 : i32 to vector<512x1xi32>
    %mul3A_1071 = arith.muli %and3A_1068, %mul3A_1070 : vector<512x1xi32>
    %convert_element_type3A_1072 = arith.fptosi %broadcast_in_dim3A_1064 : vector<512x1xf32> to vector<512x1xi32>
    %add3A_1073 = arith.addi %mul3A_1071, %convert_element_type3A_1072 : vector<512x1xi32>
    %swap3A_1074 = arith.constant 0 : index
    %swap3A_1075 = arith.constant 14 : index
    %swap3A_1076 = vector.load %arg3[%swap3A_1074, %swap3A_1075] : memref<512x16xi32, #tpu.memory_space<vmem>>, vector<512x1xi32>
    tpu.vector_store %arg3[%swap3A_1074, %swap3A_1075], %add3A_1073 {strides = array<i32>} : memref<512x16xi32, #tpu.memory_space<vmem>>, vector<512x1xi32>,
    %eq3A_1077 = vector.broadcast %broadcast_in_dim3A_1064 : vector<512x1xf32> to vector<512x256xf32>
    %eq3A_1078 = arith.cmpf oeq, %convert_element_type3A_238, %eq3A_1077 : vector<512x256xf32>
    %get3A_1079 = arith.constant 0 : index
    %get3A_1080 = arith.constant 0 : index
    %get3A_1081 = vector.load %arg6[%get3A_1079, %get3A_1080] : memref<512x256xf32, #tpu.memory_space<vmem>>, vector<512x256xf32>
    %get3A_1082 = arith.constant 0 : index
    %get3A_1083 = arith.constant 0 : index
    %get3A_1084 = vector.load %arg7[%get3A_1082, %get3A_1083] : memref<512x256xf32, #tpu.memory_space<vmem>>, vector<512x256xf32>
    %get3A_1085 = arith.constant 0 : index
    %get3A_1086 = arith.constant 0 : index
    %get3A_1087 = vector.load %arg8[%get3A_1085, %get3A_1086] : memref<512x256xf32, #tpu.memory_space<vmem>>, vector<512x256xf32>
    %select_n3A_1088 = arith.select %eq3A_1078, %get3A_1081, %get3A_1053 : vector<512x256xi1>, vector<512x256xf32>
    %swap3A_1089 = arith.constant 0 : index
    %swap3A_1090 = arith.constant 0 : index
    %swap3A_1091 = vector.load %arg5[%swap3A_1089, %swap3A_1090] : memref<512x256xf32, #tpu.memory_space<vmem>>, vector<512x256xf32>
    tpu.vector_store %arg5[%swap3A_1089, %swap3A_1090], %select_n3A_1088 {strides = array<i32>} : memref<512x256xf32, #tpu.memory_space<vmem>>, vector<512x256xf32>,
    %select_n3A_1092 = arith.select %eq3A_1078, %get3A_1084, %get3A_1081 : vector<512x256xi1>, vector<512x256xf32>
    %swap3A_1093 = arith.constant 0 : index
    %swap3A_1094 = arith.constant 0 : index
    %swap3A_1095 = vector.load %arg6[%swap3A_1093, %swap3A_1094] : memref<512x256xf32, #tpu.memory_space<vmem>>, vector<512x256xf32>
    tpu.vector_store %arg6[%swap3A_1093, %swap3A_1094], %select_n3A_1092 {strides = array<i32>} : memref<512x256xf32, #tpu.memory_space<vmem>>, vector<512x256xf32>,
    %select_n3A_1096 = arith.select %eq3A_1078, %get3A_1087, %get3A_1084 : vector<512x256xi1>, vector<512x256xf32>
    %swap3A_1097 = arith.constant 0 : index
    %swap3A_1098 = arith.constant 0 : index
    %swap3A_1099 = vector.load %arg7[%swap3A_1097, %swap3A_1098] : memref<512x256xf32, #tpu.memory_space<vmem>>, vector<512x256xf32>
    tpu.vector_store %arg7[%swap3A_1097, %swap3A_1098], %select_n3A_1096 {strides = array<i32>} : memref<512x256xf32, #tpu.memory_space<vmem>>, vector<512x256xf32>,
    %jit3A_1100 = arith.constant 0x7F800000 : f32
    %broadcast_in_dim3A_1101 = vector.broadcast %jit3A_1100 : f32 to vector<512x256xf32>
    %select_n3A_1102 = arith.select %eq3A_1078, %broadcast_in_dim3A_1101, %get3A_1087 : vector<512x256xi1>, vector<512x256xf32>
    %swap3A_1103 = arith.constant 0 : index
    %swap3A_1104 = arith.constant 0 : index
    %swap3A_1105 = vector.load %arg8[%swap3A_1103, %swap3A_1104] : memref<512x256xf32, #tpu.memory_space<vmem>>, vector<512x256xf32>
    tpu.vector_store %arg8[%swap3A_1103, %swap3A_1104], %select_n3A_1102 {strides = array<i32>} : memref<512x256xf32, #tpu.memory_space<vmem>>, vector<512x256xf32>,
    %get3A_1106 = arith.constant 0 : index
    %get3A_1107 = arith.constant 0 : index
    %get3A_1108 = vector.load %arg5[%get3A_1106, %get3A_1107] : memref<512x256xf32, #tpu.memory_space<vmem>>, vector<512x256xf32>
    %reduce_min3A_1109 = arith.constant dense<0x7F800000> : vector<512xf32>
    %reduce_min3A_1110 = vector.multi_reduction <minimumf>, %get3A_1108, %reduce_min3A_1109 [1] : vector<512x256xf32> to vector<512xf32>
    %broadcast_in_dim3A_1111 = vector.shape_cast %reduce_min3A_1110 : vector<512xf32> to vector<512x1xf32>
    %eq3A_1112 = vector.broadcast %broadcast_in_dim3A_1111 : vector<512x1xf32> to vector<512x256xf32>
    %eq3A_1113 = arith.cmpf oeq, %get3A_1108, %eq3A_1112 : vector<512x256xf32>
    %jit3A_1114 = arith.constant 0x7F800000 : f32
    %broadcast_in_dim3A_1115 = vector.broadcast %jit3A_1114 : f32 to vector<512x256xf32>
    %select_n3A_1116 = arith.select %eq3A_1113, %convert_element_type3A_238, %broadcast_in_dim3A_1115 : vector<512x256xi1>, vector<512x256xf32>
    %reduce_min3A_1117 = arith.constant dense<0x7F800000> : vector<512xf32>
    %reduce_min3A_1118 = vector.multi_reduction <minimumf>, %select_n3A_1116, %reduce_min3A_1117 [1] : vector<512x256xf32> to vector<512xf32>
    %broadcast_in_dim3A_1119 = vector.shape_cast %reduce_min3A_1118 : vector<512xf32> to vector<512x1xf32>
    %bitcast_convert_type3A_1120 = tpu.bitcast %broadcast_in_dim3A_1111 : vector<512x1xf32> -> vector<512x1xi32>
    %and3A_1121 = arith.constant 15 : i32
    %and3A_1122 = vector.broadcast %and3A_1121 : i32 to vector<512x1xi32>
    %and3A_1123 = arith.andi %bitcast_convert_type3A_1120, %and3A_1122 : vector<512x1xi32>
    %mul3A_1124 = arith.constant 256 : i32
    %mul3A_1125 = vector.broadcast %mul3A_1124 : i32 to vector<512x1xi32>
    %mul3A_1126 = arith.muli %and3A_1123, %mul3A_1125 : vector<512x1xi32>
    %convert_element_type3A_1127 = arith.fptosi %broadcast_in_dim3A_1119 : vector<512x1xf32> to vector<512x1xi32>
    %add3A_1128 = arith.addi %mul3A_1126, %convert_element_type3A_1127 : vector<512x1xi32>
    %swap3A_1129 = arith.constant 0 : index
    %swap3A_1130 = arith.constant 15 : index
    %swap3A_1131 = vector.load %arg3[%swap3A_1129, %swap3A_1130] : memref<512x16xi32, #tpu.memory_space<vmem>>, vector<512x1xi32>
    tpu.vector_store %arg3[%swap3A_1129, %swap3A_1130], %add3A_1128 {strides = array<i32>} : memref<512x16xi32, #tpu.memory_space<vmem>>, vector<512x1xi32>,
    return
  }
  func.func @transform_0(%arg0: i32) -> (i32, i32) {
    %c0_i32 = arith.constant 0 : i32
    %c0_i32_0 = arith.constant 0 : i32
    return %arg0, %c0_i32 : i32, i32
  }
  func.func @transform_1(%arg0: i32) -> (i32, i32) {
    %jit3A = arith.constant 8 : i32
    %div3A = arith.divsi %arg0, %jit3A : i32
    %sign3A = arith.constant 0 : i32
    %sign3A_0 = arith.cmpi sgt, %arg0, %sign3A : i32
    %sign3A_1 = arith.extui %sign3A_0 : i1 to i32
    %sign3A_2 = arith.constant 0 : i32
    %sign3A_3 = arith.cmpi slt, %arg0, %sign3A_2 : i32
    %sign3A_4 = arith.extui %sign3A_3 : i1 to i32
    %sign3A_5 = arith.subi %sign3A_1, %sign3A_4 : i32
    %sign3A_6 = arith.constant 0 : i32
    %sign3A_7 = arith.cmpi sgt, %jit3A, %sign3A_6 : i32
    %sign3A_8 = arith.extui %sign3A_7 : i1 to i32
    %sign3A_9 = arith.constant 0 : i32
    %sign3A_10 = arith.cmpi slt, %jit3A, %sign3A_9 : i32
    %sign3A_11 = arith.extui %sign3A_10 : i1 to i32
    %sign3A_12 = arith.subi %sign3A_8, %sign3A_11 : i32
    %ne3A = arith.cmpi ne, %sign3A_5, %sign3A_12 : i32
    %rem3A = arith.remsi %arg0, %jit3A : i32
    %ne3A_13 = arith.constant 0 : i32
    %ne3A_14 = arith.cmpi ne, %rem3A, %ne3A_13 : i32
    %and3A = arith.andi %ne3A, %ne3A_14 : i1
    %sub3A = arith.constant 1 : i32
    %sub3A_15 = arith.subi %div3A, %sub3A : i32
    %select_n3A = arith.select %and3A, %sub3A_15, %div3A : i32
    %c0_i32 = arith.constant 0 : i32
    %c0_i32_16 = arith.constant 0 : i32
    return %select_n3A, %c0_i32 : i32, i32
  }
  func.func @transform_2(%arg0: i32) -> (i32, i32) {
    %c0_i32 = arith.constant 0 : i32
    %c0_i32_0 = arith.constant 0 : i32
    return %arg0, %c0_i32 : i32, i32
  }
}

</mosaic_0001>

<sc_bundles>
// kernel: kernel.4.cloned.1.call-start
scs
__scs_entry_jumppad:
0x0: {  	(pc) =	sbr.rel $0x88, $3  }
0x1: {  	(tag) =	ssettag $0x0;
	lr =	simm.s32 $0x1  }
0x2: {  	[smem:$0x3F9F] =	sst lr;
	_ =	strace $0xD0000000  }
0x3: {  	_ = 	snop  }
0x4: {  	_ = 	snop  }
0x5: {  	_ = 	snop  }
0x6: {  	_ = 	snop  }
0x7: {  	_ = 	snop  }
__scs_overlays_trampoline_lowered:
0x8: {  	[smem:$0x3FAE] =	sst s0  }
0x9: {  	[smem:$0x3FAF] =	sst s1  }
0xa: {  	[smem:$0x3FB0] =	sst s2  }
0xb: {  	[smem:$0x3FB1] =	sst s3  }
0xc: {  	[smem:$0x3FB2] =	sst s4  }
0xd: {  	[smem:$0x3FB3] =	sst s5  }
0xe: {  	[smem:$0x3FB4] =	sst s6  }
0xf: {  	[smem:$0x3FB5] =	sst s7  }
0x10: {  	[smem:$0x3FB6] =	sst s8  }
0x11: {  	[smem:$0x3FB7] =	sst s9;
	s0 =	simm.s32 @!p0 $0x0  }
0x12: {  	s1 =	sld [smem:$0x3F9D];
	s0 =	simm.s32 @p0 $0x1  }
0x13: {  	[smem:$0x3FB8] =	sst s0;
	s0 =	simm.s32 @!p1 $0x0  }
0x14: {  	s2 =	sld [smem:$0x3F9C];
	s0 =	simm.s32 @p1 $0x1  }
0x15: {  	[smem:$0x3FB9] =	sst s0;
	s0 =	simm.s32 @!p2 $0x0  }
0x16: {  	s3 =	sld [smem:$0x3FDB];
	s0 =	simm.s32 @p2 $0x1  }
0x17: {  	s4 =	simm.s32 $0x1BF5;
	[smem:$0x3FBB] =	sst s0  }
0x18: {  	s0 =	sld [smem:$0x3F9E];
	_ =	swait.ge [sflag:s4], $0x0  }
0x19: {  	s7 =	sld [smem:$0x3F9F]  }
0x1a: {  	s8 =	sadd.s32 $0xFFFFE003, lr  }
0x1b: {  	s9 =	sadd.s32 $0xFFFFFEF7, lr;
	s5 =	simm.s32 $0xFFFFFFFF;
	p2 =	slt.u32 s8, $0xFFFFF086  }
0x1c: {  	p1 =	slt.u32 s9, $0xF7A;
	s5 =	simm.s32 @!p2 $0x0  }
0x1d: {  	s5 =	simm.s32 @p1 $0x1;
	p0 =	seq.s32 s7, s2  }
0x1e: {  	s7 =	smul.u32 @!p0 $0xF7A, s2;
	p2 =	seq.s32 @!p0 s5, $0x0  }
0x1f: {  	s9 =	smul.u32 $0xF7A, s1;
	s8 =	simm.s32 @!p0 $0x1BF5;
	p2 =	por !p2, p0  }
0x20: {  	[sflag:s8] =	ssyncset.s32 @!p0 $0xFFFFF086;
	s6 =	sadd.s32 @!p0 s3, s7;
	s7 =	simm.s32 @!p0 $0x108  }
0x21: {  	s3 =	sadd.s32 s3, s9;
	s6 =	sadd.s32 @!p0 $0x88, s6;
	s7 =	simm.s32 @p2 $0x1082  }
0x22: {  	[simem:s7], [sflag:s8] =	dma.local @!p0 [hbm:s6], $0xF7A  }
0x23: {  	s9 =	sor.u32 $0xD0000000, s2;
	s6 =	simm.s32 $0x108;
	_ =	swait.ge @!p0 [sflag:s8], $0x0  }
0x24: {  	s3 =	sadd.s32 $0x88, s3;
	s6 =	simm.s32 @!p1 $0x1082;
	[sflag:s4] =	ssyncset.s32 $0xFFFFF086  }
0x25: {  	[simem:s6], [sflag:s4] =	dma.local [hbm:s3], $0xF7A  }
0x26: {  	[smem:$0x3F9F] =	sst s1;
	(tag) =	ssettag s2;
	_ =	strace s9  }
0x27: {  	s1 =	sld [smem:$0x3FAF]  }
0x28: {  	s2 =	sld [smem:$0x3FB0]  }
0x29: {  	s4 =	sld [smem:$0x3FB2]  }
0x2a: {  	p0 =	seq.s32 s5, $0x0;
	s5 =	sld [smem:$0x3FB3]  }
0x2b: {  	s6 =	sld [smem:$0x3FB4]  }
0x2c: {  	s7 =	sld [smem:$0x3FB5]  }
0x2d: {  	s3 =	simm.s32 $0x108;
	s8 =	sld [smem:$0x3FB6]  }
0x2e: {  	s3 =	simm.s32 @!p0 $0x1082;
	s9 =	sld [smem:$0x3FB7]  }
0x2f: {  	lr =	sadd.s32 s0, s3;
	s0 =	sld [smem:$0x3FAE]  }
0x30: {  	s3 =	sld [smem:$0x3FB1]  }
0x31: {  	[smem:$0x3FBA] =	sst s10  }
0x32: {  	s10 =	sld [smem:$0x3FB8];
	_ =	sdelay $0x3  }
0x33: {  	p0 =	seq.s32 s10, $0x1;
	s10 =	sld [smem:$0x3FBA];
	_ =	sdelay $0x3  }
0x34: {  	[smem:$0x3FBA] =	sst s10  }
0x35: {  	s10 =	sld [smem:$0x3FB9];
	_ =	sdelay $0x3  }
0x36: {  	p1 =	seq.s32 s10, $0x1;
	s10 =	sld [smem:$0x3FBA];
	_ =	sdelay $0x3  }
0x37: {  	[smem:$0x3FBA] =	sst s10  }
0x38: {  	s10 =	sld [smem:$0x3FBB]  }
0x39: {  	_ = 	snop;
	(pc) =	sbr.ind lr, $3  }
0x3a: {  	_ = 	snop  }
0x3b: {  	_ = 	snop  }
0x3c: {  	p2 =	seq.s32 s10, $0x1;
	s10 =	sld [smem:$0x3FBA]  }
0x3d: {  	_ =	shalt  }
0x3e: {  	_ =	shalt  }
0x3f: {  	_ =	shalt  }
0x40: {  	_ =	shalt  }
0x41: {  	_ =	shalt  }
0x42: {  	_ =	shalt  }
0x43: {  	_ =	shalt  }
0x44: {  	_ =	shalt  }
0x45: {  	_ =	shalt  }
0x46: {  	_ =	shalt  }
0x47: {  	_ =	shalt  }
0x48: {  	_ =	shalt  }
0x49: {  	_ =	shalt  }
0x4a: {  	_ =	shalt  }
0x4b: {  	_ =	shalt  }
0x4c: {  	_ =	shalt  }
0x4d: {  	_ =	shalt  }
0x4e: {  	_ =	shalt  }
0x4f: {  	_ =	shalt  }
0x50: {  	_ =	shalt  }
0x51: {  	_ =	shalt  }
0x52: {  	_ =	shalt  }
0x53: {  	_ =	shalt  }
0x54: {  	_ =	shalt  }
0x55: {  	_ =	shalt  }
0x56: {  	_ =	shalt  }
0x57: {  	_ =	shalt  }
0x58: {  	_ =	shalt  }
0x59: {  	_ =	shalt  }
0x5a: {  	_ =	shalt  }
0x5b: {  	_ =	shalt  }
0x5c: {  	_ =	shalt  }
0x5d: {  	_ =	shalt  }
0x5e: {  	_ =	shalt  }
0x5f: {  	_ =	shalt  }
0x60: {  	_ =	shalt  }
0x61: {  	_ =	shalt  }
0x62: {  	_ =	shalt  }
0x63: {  	_ =	shalt  }
0x64: {  	_ =	shalt  }
0x65: {  	_ =	shalt  }
0x66: {  	_ =	shalt  }
0x67: {  	_ =	shalt  }
0x68: {  	_ =	shalt  }
0x69: {  	_ =	shalt  }
0x6a: {  	_ =	shalt  }
0x6b: {  	_ =	shalt  }
0x6c: {  	_ =	shalt  }
0x6d: {  	_ =	shalt  }
0x6e: {  	_ =	shalt  }
0x6f: {  	_ =	shalt  }
0x70: {  	_ =	shalt  }
0x71: {  	_ =	shalt  }
0x72: {  	_ =	shalt  }
0x73: {  	_ =	shalt  }
0x74: {  	_ =	shalt  }
0x75: {  	_ =	shalt  }
0x76: {  	_ =	shalt  }
0x77: {  	_ =	shalt  }
0x78: {  	_ =	shalt  }
0x79: {  	_ =	shalt  }
0x7a: {  	_ =	shalt  }
0x7b: {  	_ =	shalt  }
0x7c: {  	_ =	shalt  }
0x7d: {  	_ =	shalt  }
0x7e: {  	_ =	shalt  }
0x7f: {  	_ =	shalt  }
0x80: {  	_ =	shalt  }
0x81: {  	_ =	shalt  }
0x82: {  	_ =	shalt  }
0x83: {  	_ =	shalt  }
0x84: {  	_ =	shalt  }
0x85: {  	_ =	shalt  }
0x86: {  	_ =	shalt  }
0x87: {  	_ =	shalt  }
.Lfunc_end0:
.L_simem_size_0:
called_computation_lowered:
.L_overlay_start_0:
0x88: {  	s2 =	sld [smem:$0x3FD9]  }
0x89: {  	s3 =	sld [smem:$0x3FFE];
	_ =	sdelay $0x1  }
0x8a: {  	s1 =	srdreg.scid  }
0x8b: {  	s0 =	sand.u32 $0x1, s1  }
0x8c: {  	s14 =	sshll.u32 s0, $0xA;
	s2 =	sadd.s32 s3, s2  }
0x8d: {  	s2 =	sadd.s32 s2, s14  }
0x8e: {  	[smem:$0x3FC6] =	sst s2  }
0x8f: {  	_ = 	snop  }
0x90: {  	s2 =	sld [smem:$0x3FD0];
	_ =	sdelay $0x2  }
0x91: {  	s15 =	simm.s32 $0xA;
	s4 =	simm.s32 $0x10  }
0x92: {  	[smem:s4], [sflag:s15] =	dma.local [hbm:s2], $0x1  }
0x93: {  	_ =	swait.eq [sflag:s15], $0x1  }
0x94: {  	[sflag:s15] =	ssyncset.done $0x0  }
0x95: {  	[sflag:s15] =	ssyncadd.s32 $0xFFFFFFFF  }
0x96: {  	s16 =	sld [smem:$0x10];
	(tm) =	ssettm $0x1  }
0x97: {  	s17 =	sld [smem:$0x3FFB];
	_ =	sdelay $0x3  }
0x98: {  	_ =	strace s17  }
0x99: {  	s3 =	sld [smem:$0x3FFC];
	_ =	sdelay $0x3  }
0x9a: {  	_ =	strace s3  }
0x9b: {  	s3 =	sld [smem:$0x3FFD];
	_ =	sdelay $0x3  }
0x9c: {  	_ =	strace s3  }
0x9d: {  	_ =	strace $0x8FFFFFFF  }
0x9e: {  	s18 =	sld [smem:$0x3FDB];
	_ =	sdelay $0x1  }
0x9f: {  	s19 =	simm.s32 $_scs_section_size  }
0xa0: {  	s5 =	simm.s32 $_size__tile_overlayer_lowered;
	s6 =	simm.s32 $_tile_overlayer_lowered  }
0xa1: {  	s22 =	simm.s32 $0x1BFF;
	s21 =	sshll.u32 s6, $0x1;
	s3 =	sadd.s32 s19, s18  }
0xa2: {  	s7 =	simm.s32 $0x0;
	s20 =	sshll.u32 s5, $0x1;
	s5 =	sadd.s32 s21, s3  }
0xa3: {  	[timem:s7], [sflag:s22] =	dma.local [hbm:s5], s20  }
0xa4: {  	_ =	swait.ge [sflag:s22], s20  }
0xa5: {  	s4 =	ssub.s32 $0x0, s20;
	[sflag:s22] =	ssyncset.done $0x0  }
0xa6: {  	[sflag:s22] =	ssyncadd.s32 s4;
	_ =	sdelay $0x1  }
0xa7: {  	s23 =	simm.s32 $0x1B8B  }
0xa8: {  	_ =	swait.ge [sflag:s23], $0x1  }
0xa9: {  	[sflag:s23] =	ssyncset.done $0x0  }
0xaa: {  	s25 =	simm.s32 $0x1B8E;
	s24 =	sld [smem:$0x3FFE];
	[sflag:s23] =	ssyncadd.s32 $0xFFFFFFFF  }
0xab: {  	s26 =	simm.s32 $execute0_lowered;
	[smem:$0x3FD2] =	sst s25  }
0xac: {  	s5 =	sshll.u32 s26, $0x1;
	_ =	strace $0x80000046;
	[dreg:$0x1] =	wrdreg $0xFFFFFFFF  }
0xad: {  	s28 =	simm.s32 $_size_execute0_lowered;
	s3 =	sadd.s32 s3, s5;
	[dreg:$0x0] =	wrdreg $0x0  }
0xae: {  	s5 =	sshll.u32 s28, $0x1;
	[dreg:$0x2] =	wrdreg s3  }
0xaf: {  	[dreg:$0x3] =	wrdreg s5  }
0xb0: {  	[dreg:$0x4] =	wrdreg $0xC0  }
0xb1: {  	_ =	task [dreg:s7], $0x5FFFF  }
0xb2: {  	[dreg:$0x1] =	wrdreg $0xFFFFFFFF  }
0xb3: {  	[dreg:$0x0] =	wrdreg $0x60  }
0xb4: {  	[dreg:$0x2] =	wrdreg s24  }
0xb5: {  	[dreg:$0x3] =	wrdreg s16  }
0xb6: {  	[dreg:$0x4] =	wrdreg $0x9  }
0xb7: {  	_ =	task.clear_ibuf [dreg:s7], $0x5FFFF;
	_ =	strace $0x90000046  }
0xb8: {  	s29 =	simm.s32 $0x9;
	_ =	strace $0x80000048  }
0xb9: {  	_ =	swait.ge [sflag:s29], $0x1  }
0xba: {  	[sflag:s29] =	ssyncadd.s32 $0xFFFFFFFF  }
0xbb: {  	_ =	strace $0x90000048  }
0xbc: {  	_ =	sfence  }
0xbd: {  	s30 =	sld [smem:$0x0];
	_ =	sdelay $0x2  }
0xbe: {  	s31 =	sshll.u32 s1, $0xD;
	s1 =	sshrl.u32 s1, $0x2  }
0xbf: {  	s3 =	sand.u32 $0x4000, s31;
	s1 =	sadd.s32 s1, s30  }
0xc0: {  	s0 =	sor.u32 s3, s0;
	s1 =	sshll.u32 s1, $0x11  }
0xc1: {  	s0 =	sor.u32 s1, s0  }
0xc2: {  	s0 =	sadd.s32 $0x8F2B, s0  }
0xc3: {  	[sflag:s0] =	ssyncadd.remote.s32 $0x1  }
0xc4: {  	_ =	sfence.sel $0xFFFF  }
0xc5: {  	[dreg:$0x0] =	wrdreg $0xFFFFFFFF;
	(pc) =	sbr.abs _section_cstart, $3  }
0xc6: {  	[dreg:$0x1] =	wrdreg $0xFFFFFFFF  }
0xc7: {  	_ =	task.clear_ibuf [dreg:s7], $0x2FFFF;
	_ =	strace $0x9FFFFFFF  }
0xc8: {  	(tm) =	ssettm $0x7FFFFFFF  }
0xc9: {  	_ =	shalt  }
tec
execute0_lowered:
.L_overlay_start_1:
0x0: {  	(tag) =	ssettag $0x1  }
0x1: {  	s1 =	srdreg.scid;
	s0 =	stileid.u32  }
0x2: {  	s6 =	rddreg [dreg:$0x0];
	s15 =	sand.u32 $0x1, s1;
	s3 =	sshll.u32 s0, $0x1  }
0x3: {  	s14 =	rddreg [dreg:$0x1];
	s7 =	sor.u32 s15, s3  }
0x4: {  	s2 =	simm.s32 $0x0;
	s1 =	rddreg [dreg:$0x2];
	s3 =	sshll.u32 s7, $0x7  }
0x5: {  	s5 =	simm.s32 $0x8000;
	[smem:$0x7FF] =	sst s2;
	s3 =	sadd.s32 s3, s6  }
0x6: {  	_ =	strace $0x80000047;
	s4 =	sadd.s32 $0x80400, s3;
	s3 =	simm.s32 $0x1  }
0x7: {  	[tilespmem:s5], [sflag:$0x1] =	stream.linear.gather [hbm4b:s4+s2], $0x10, $0x38;
	[tilespmem:$0xA080] =	vst v63  }
0x8: {  	_ =	swait.ge [sflag:s3], $0x10  }
0x9: {  	s13 =	sadd.s32 $0x400, s6;
	s26 =	sshll.u32 s7, $0xE;
	[sflag:s3] =	ssyncset.done $0x0  }
0xa: {  	s6 =	sadd.s32 s13, s26;
	[sflag:s3] =	ssyncadd.s32 $0xFFFFFFF0  }
0xb: {  	v6 =	vld [tilespmem:$0x8000];
	[tilespmem:s2], [sflag:$0x1] =	stream.linear.gather [hbm4b:s6+s2], $0x8000, $0x38  }
0xc: {  	_ =	swait.ge [sflag:s3], $0x8000  }
0xd: {  	[sflag:s3] =	ssyncset.done $0x0  }
0xe: {  	vm0 =	vcmask $0xB08;
	vm1 =	vcmask $0x300;
	[sflag:s3] =	ssyncadd.s32 $0xFFFF8000  }
0xf: {  	vm0 =	vmor vm1, vm0;
	vm1 =	vcmask $0x1310;
	v2 =	vld [tilespmem:$0x0]  }
0x10: {  	vm0 =	vmor vm0, vm1;
	vm1 =	vcmask $0x1B18  }
0x11: {  	s8 =	sshll.u32 s0, $0xB;
	vm0 =	vmor vm0, vm1;
	vm1 =	vcmask $0x2320  }
0x12: {  	v1 =	vlaneseq.u32;
	s8 =	sand.u32 $0x7000, s8;
	s17 =	sshll.u32 s7, $0xA;
	vm0 =	vmor vm0, vm1;
	vm1 =	vcmask $0x2B28  }
0x13: {  	v1 =	vshrl.u32 v1, $0x1;
	s16 =	ssub.s32 s17, s8;
	vm0 =	vmor vm0, vm1;
	vm1 =	vcmask $0x3330  }
0x14: {  	v0 =	vmov s16;
	vm0 =	vmor vm0, vm1;
	v3 =	vadd.s32 v6, v2  }
0x15: {  	vm1 =	vcmask $0x3B38;
	v2 =	vor.u32 $0x8, v1;
	v4 =	vperm.xlane v3, v1  }
0x16: {  	vm0 =	vmor vm0, vm1;
	v5 =	vadd.s32 v0, v6;
	v3 =	vperm.xlane v3, v2  }
0x17: {  	v4 =	vsel vm0, v5, v4  }
0x18: {  	s7 =	sshll.u32 s7, $0xC;
	v3 =	vsel vm0, v5, v3;
	[tilespmem:$0x8080] =	vst v4  }
0x19: {  	s8 =	sadd.s32 s14, s7;
	s7 =	simm.s32 $0x8080;
	[tilespmem:$0x8090] =	vst v3  }
0x1a: {  	[hbm4b:s8+s2] =	stream.linear.scatter [tilespmem:s7], [sflag:$0x1], $0x2000, $0x38;
	[tilespmem:$0xA080] =	vst v63  }
0x1b: {  	s10 =	sor.u32 $0x100, s17;
	_ =	swait.ge [sflag:s3], $0x2000  }
0x1c: {  	s9 =	sshll.u32 s10, $0x4;
	[sflag:s3] =	ssyncset.done $0x0  }
0x1d: {  	s9 =	sadd.s32 s13, s9;
	[sflag:s3] =	ssyncadd.s32 $0xFFFFE000  }
0x1e: {  	[tilespmem:s2], [sflag:$0x1] =	stream.linear.gather [hbm4b:s9+s2], $0x8000, $0x38;
	[tilespmem:$0xA080] =	vst v63  }
0x1f: {  	_ =	swait.ge [sflag:s3], $0x8000  }
0x20: {  	[sflag:s3] =	ssyncset.done $0x0  }
0x21: {  	[sflag:s3] =	ssyncadd.s32 $0xFFFF8000  }
0x22: {  	v3 =	vld [tilespmem:$0x0];
	_ =	sdelay $0x4  }
0x23: {  	s11 =	sor.u32 $0x100, s16;
	v4 =	vadd.s32 v6, v3  }
0x24: {  	v3 =	vmov s11;
	v5 =	vperm.xlane v4, v1  }
0x25: {  	v7 =	vadd.s32 v3, v6;
	v4 =	vperm.xlane v4, v2  }
0x26: {  	v5 =	vsel vm0, v7, v5  }
0x27: {  	s10 =	sshll.u32 s10, $0x2;
	v4 =	vsel vm0, v7, v4;
	[tilespmem:$0x8080] =	vst v5  }
0x28: {  	s10 =	sadd.s32 s14, s10;
	[tilespmem:$0x8090] =	vst v4  }
0x29: {  	[hbm4b:s10+s2] =	stream.linear.scatter [tilespmem:s7], [sflag:$0x1], $0x2000, $0x38;
	[tilespmem:$0xA080] =	vst v63  }
0x2a: {  	s12 =	sor.u32 $0x200, s17;
	_ =	swait.ge [sflag:s3], $0x2000  }
0x2b: {  	s28 =	sshll.u32 s12, $0x4;
	[sflag:s3] =	ssyncset.done $0x0  }
0x2c: {  	s11 =	sadd.s32 s13, s28;
	[sflag:s3] =	ssyncadd.s32 $0xFFFFE000  }
0x2d: {  	[tilespmem:s2], [sflag:$0x1] =	stream.linear.gather [hbm4b:s11+s2], $0x8000, $0x38;
	[tilespmem:$0xA080] =	vst v63  }
0x2e: {  	_ =	swait.ge [sflag:s3], $0x8000  }
0x2f: {  	[sflag:s3] =	ssyncset.done $0x0  }
0x30: {  	[sflag:s3] =	ssyncadd.s32 $0xFFFF8000  }
0x31: {  	v4 =	vld [tilespmem:$0x0];
	_ =	sdelay $0x4  }
0x32: {  	s18 =	sor.u32 $0x200, s16;
	v5 =	vadd.s32 v6, v4  }
0x33: {  	v4 =	vmov s18;
	v7 =	vperm.xlane v5, v1  }
0x34: {  	v8 =	vadd.s32 v4, v6;
	v5 =	vperm.xlane v5, v2  }
0x35: {  	v7 =	vsel vm0, v8, v7  }
0x36: {  	s12 =	sshll.u32 s12, $0x2;
	v5 =	vsel vm0, v8, v5;
	[tilespmem:$0x8080] =	vst v7  }
0x37: {  	s12 =	sadd.s32 s14, s12;
	[tilespmem:$0x8090] =	vst v5  }
0x38: {  	[hbm4b:s12+s2] =	stream.linear.scatter [tilespmem:s7], [sflag:$0x1], $0x2000, $0x38;
	[tilespmem:$0xA080] =	vst v63  }
0x39: {  	s17 =	sor.u32 $0x300, s17;
	_ =	swait.ge [sflag:s3], $0x2000  }
0x3a: {  	s29 =	sshll.u32 s17, $0x4;
	[sflag:s3] =	ssyncset.done $0x0  }
0x3b: {  	s13 =	sadd.s32 s13, s29;
	[sflag:s3] =	ssyncadd.s32 $0xFFFFE000  }
0x3c: {  	[tilespmem:s2], [sflag:$0x1] =	stream.linear.gather [hbm4b:s13+s2], $0x8000, $0x38;
	[tilespmem:$0xA080] =	vst v63  }
0x3d: {  	_ =	swait.ge [sflag:s3], $0x8000  }
0x3e: {  	[sflag:s3] =	ssyncset.done $0x0  }
0x3f: {  	[sflag:s3] =	ssyncadd.s32 $0xFFFF8000  }
0x40: {  	s15 =	ssub.s32 $0x2, s15;
	v5 =	vld [tilespmem:$0x0]  }
0x41: {  	s30 =	sshrl.u32 s15, $0x1  }
0x42: {  	s15 =	ssub.s32 s15, s30  }
0x43: {  	s15 =	smax.u32 s15, $0x1  }
0x44: {  	p0 =	sne.s32 s15, $0x1  }
.Ltmp0:
0x45: {  	s16 =	sor.u32 $0x300, s16;
	v7 =	vadd.s32 v6, v5;
	(pc) =	sbr.rel @!p0 .LBB2_2-.Ltmp0, $4  }
0x46: {  	v5 =	vmov s16;
	v8 =	vperm.xlane v7, v1  }
0x47: {  	v6 =	vadd.s32 v5, v6;
	v7 =	vperm.xlane v7, v2  }
0x48: {  	s31 =	sshll.u32 s17, $0x2;
	v8 =	vsel vm0, v6, v8  }
0x49: {  	s14 =	sadd.s32 s14, s31;
	s15 =	sadd.s32 $0xFFFFFFFF, s15;
	v6 =	vsel vm0, v6, v7;
	[tilespmem:$0x8080] =	vst v8  }
.LBB2_1:
0x4a: {  	p0 =	sne.s32 s15, $0x1;
	s15 =	sadd.s32 $0xFFFFFFFF, s15;
	[tilespmem:$0x8090] =	vst v6  }
0x4b: {  	[hbm4b:s14+s2] =	stream.linear.scatter [tilespmem:s7], [sflag:$0x1], $0x2000, $0x38;
	[tilespmem:$0xA080] =	vst v63  }
0x4c: {  	_ =	swait.ge [sflag:s3], $0x2000  }
0x4d: {  	[sflag:s3] =	ssyncset.done $0x0  }
0x4e: {  	[sflag:s3] =	ssyncadd.s32 $0xFFFFE000  }
0x4f: {  	[tilespmem:s5], [sflag:$0x1] =	stream.linear.gather [hbm4b:s4+s2], $0x10, $0x38;
	[tilespmem:$0xA080] =	vst v63  }
0x50: {  	_ =	swait.ge [sflag:s3], $0x10  }
0x51: {  	[sflag:s3] =	ssyncset.done $0x0  }
0x52: {  	[sflag:s3] =	ssyncadd.s32 $0xFFFFFFF0  }
0x53: {  	v6 =	vld [tilespmem:$0x8000]  }
0x54: {  	[tilespmem:s2], [sflag:$0x1] =	stream.linear.gather [hbm4b:s6+s2], $0x8000, $0x38;
	[tilespmem:$0xA080] =	vst v63  }
0x55: {  	_ =	swait.ge [sflag:s3], $0x8000  }
0x56: {  	[sflag:s3] =	ssyncset.done $0x0  }
0x57: {  	[sflag:s3] =	ssyncadd.s32 $0xFFFF8000  }
0x58: {  	v7 =	vld [tilespmem:$0x0];
	_ =	sdelay $0x4  }
0x59: {  	v7 =	vadd.s32 v6, v7  }
0x5a: {  	v8 =	vperm.xlane v7, v1;
	v7 =	vperm.xlane v7, v2  }
0x5b: {  	v9 =	vadd.s32 v0, v6  }
0x5c: {  	v8 =	vsel vm0, v9, v8;
	v7 =	vsel vm0, v9, v7  }
0x5d: {  	[tilespmem:$0x8080] =	vst v8  }
0x5e: {  	[tilespmem:$0x8090] =	vst v7  }
0x5f: {  	[hbm4b:s8+s2] =	stream.linear.scatter [tilespmem:s7], [sflag:$0x1], $0x2000, $0x38;
	[tilespmem:$0xA080] =	vst v63  }
0x60: {  	_ =	swait.ge [sflag:s3], $0x2000  }
0x61: {  	[sflag:s3] =	ssyncset.done $0x0  }
0x62: {  	[sflag:s3] =	ssyncadd.s32 $0xFFFFE000  }
0x63: {  	[tilespmem:s2], [sflag:$0x1] =	stream.linear.gather [hbm4b:s9+s2], $0x8000, $0x38;
	[tilespmem:$0xA080] =	vst v63  }
0x64: {  	_ =	swait.ge [sflag:s3], $0x8000  }
0x65: {  	[sflag:s3] =	ssyncset.done $0x0  }
0x66: {  	[sflag:s3] =	ssyncadd.s32 $0xFFFF8000  }
0x67: {  	v7 =	vld [tilespmem:$0x0];
	_ =	sdelay $0x4  }
0x68: {  	v7 =	vadd.s32 v6, v7  }
0x69: {  	v8 =	vadd.s32 v3, v6;
	v9 =	vperm.xlane v7, v1;
	v7 =	vperm.xlane v7, v2;
	_ =	sdelay $0x1  }
0x6a: {  	v9 =	vsel vm0, v8, v9;
	v7 =	vsel vm0, v8, v7  }
0x6b: {  	[tilespmem:$0x8080] =	vst v9  }
0x6c: {  	[tilespmem:$0x8090] =	vst v7  }
0x6d: {  	[hbm4b:s10+s2] =	stream.linear.scatter [tilespmem:s7], [sflag:$0x1], $0x2000, $0x38;
	[tilespmem:$0xA080] =	vst v63  }
0x6e: {  	_ =	swait.ge [sflag:s3], $0x2000  }
0x6f: {  	[sflag:s3] =	ssyncset.done $0x0  }
0x70: {  	[sflag:s3] =	ssyncadd.s32 $0xFFFFE000  }
0x71: {  	[tilespmem:s2], [sflag:$0x1] =	stream.linear.gather [hbm4b:s11+s2], $0x8000, $0x38;
	[tilespmem:$0xA080] =	vst v63  }
0x72: {  	_ =	swait.ge [sflag:s3], $0x8000  }
0x73: {  	[sflag:s3] =	ssyncset.done $0x0  }
0x74: {  	[sflag:s3] =	ssyncadd.s32 $0xFFFF8000  }
0x75: {  	v7 =	vld [tilespmem:$0x0];
	_ =	sdelay $0x4  }
0x76: {  	v8 =	vadd.s32 v4, v6;
	v7 =	vadd.s32 v6, v7  }
0x77: {  	v9 =	vperm.xlane v7, v1;
	v7 =	vperm.xlane v7, v2;
	_ =	sdelay $0x1  }
0x78: {  	v9 =	vsel vm0, v8, v9;
	v7 =	vsel vm0, v8, v7  }
0x79: {  	[tilespmem:$0x8080] =	vst v9  }
0x7a: {  	[tilespmem:$0x8090] =	vst v7  }
0x7b: {  	[hbm4b:s12+s2] =	stream.linear.scatter [tilespmem:s7], [sflag:$0x1], $0x2000, $0x38;
	[tilespmem:$0xA080] =	vst v63  }
0x7c: {  	_ =	swait.ge [sflag:s3], $0x2000  }
0x7d: {  	[sflag:s3] =	ssyncset.done $0x0  }
0x7e: {  	[sflag:s3] =	ssyncadd.s32 $0xFFFFE000  }
0x7f: {  	[tilespmem:s2], [sflag:$0x1] =	stream.linear.gather [hbm4b:s13+s2], $0x8000, $0x38;
	[tilespmem:$0xA080] =	vst v63  }
0x80: {  	_ =	swait.ge [sflag:s3], $0x8000  }
0x81: {  	[sflag:s3] =	ssyncset.done $0x0  }
0x82: {  	[sflag:s3] =	ssyncadd.s32 $0xFFFF8000  }
0x83: {  	v7 =	vld [tilespmem:$0x0];
	_ =	sdelay $0x3  }
0x84: {  	v8 =	vadd.s32 v5, v6  }
.Ltmp1:
0x85: {  	v6 =	vadd.s32 v6, v7;
	(pc) =	sbr.rel @p0 .LBB2_1-.Ltmp1, $3  }
0x86: {  	v7 =	vperm.xlane v6, v1;
	v6 =	vperm.xlane v6, v2;
	_ =	sdelay $0x1  }
0x87: {  	v7 =	vsel vm0, v8, v7;
	v6 =	vsel vm0, v8, v6  }
0x88: {  	[tilespmem:$0x8080] =	vst v7  }
.LBB2_2:
0x89: {  	[tilespmem:$0x8090] =	vst v6  }
0x8a: {  	[hbm4b:s14+s2] =	stream.linear.scatter [tilespmem:s7], [sflag:$0x1], $0x2000, $0x38;
	[tilespmem:$0xA080] =	vst v63  }
0x8b: {  	_ =	swait.ge [sflag:s3], $0x2000  }
0x8c: {  	[sflag:s3] =	ssyncset.done $0x0  }
0x8d: {  	[sflag:s3] =	ssyncadd.s32 $0xFFFFE000  }
0x8e: {  	_ =	sfence.sel $0x180000  }
0x8f: {  	[bflag:$0x0] =	sbarrier.arrive $0xFFFF  }
0x90: {  	p0 =	sne.s32 s0, $0x0;
	_ =	strace $0x90000047  }
0x91: {  	s0 =	sadd.s32 @!p0 $0x100000, s1;
	[bflag:$0x2] =	sbarrier.arrive $0xFFFF  }
0x92: {  	[sflag:s0] =	ssyncadd.tile.s32 @!p0 $0x1;
	_ =	shalt  }
.Lfunc_end2:
_tile_overlayer_lowered:
.L_overlay_start_2:
0x93: {  	(tag) =	ssettag $0x2  }
0x94: {  	s0 =	rddreg [dreg:$0x0];
	s2 =	stileid.u32  }
0x95: {  	s1 =	rddreg [dreg:$0x1];
	p0 =	sne.s32 s2, $0x0  }
0x96: {  	s3 =	rddreg [dreg:$0x2];
	[bflag:$0x3] =	sbarrier.arrive $0xFFFF;
	s2 =	simm.s32 @!p0 $0x1C01  }
0x97: {  	[timem:s3], [sflag:s2] =	dma.local @!p0 [hbm:s0], s1  }
0x98: {  	s0 =	simm.s32 @!p0 $0x1  }
0x99: {  	_ =	swait.ge @!p0 [sflag:s0], s1  }
0x9a: {  	s1 =	ssub.s32 @!p0 $0x0, s1;
	[sflag:s0] =	ssyncset.done @!p0 $0x0  }
0x9b: {  	[sflag:s0] =	ssyncadd.s32 @!p0 s1  }
0x9c: {  	[bflag:$0x3] =	sbarrier.arrive $0xFFFF  }
0x9d: {  	_ =	shalt  }

</sc_bundles>
